<compile_context>
chip_gen: v7x
topology: tpu7x:2x2x1
jax: 0.10.2.dev20260603
libtpu: 0.0.44.dev20260713+nightly
codegen_flags: <defaults>
</compile_context>

<pallas_src>
import functools

import jax
import jax.numpy as jnp
from jax import lax
from jax.experimental import pallas as pl
from jax.experimental.pallas import tpu as pltpu
from jax.experimental.pallas import tpu_sc as plsc

_NC = 2
_NS = 16
_NW = _NC * _NS
_CH = 128
_NBUF = 4


def _deg_hist_kernel(npad, ept):
    mesh = plsc.VectorSubcoreMesh(core_axis_name="c", subcore_axis_name="s")

    @functools.partial(
        pl.kernel,
        out_type=jax.ShapeDtypeStruct((_NW, npad), jnp.float32),
        mesh=mesh,
        scratch_types=[
            pltpu.VMEM((ept,), jnp.int32),
            pltpu.VMEM((npad,), jnp.float32),
        ],
        compiler_params=pltpu.CompilerParams(needs_layout_passes=False),
    )
    def deg_hist(dst_hbm, zrow_hbm, hist_hbm, dst_v, hist_v):
        c = lax.axis_index("c")
        s = lax.axis_index("s")
        w = s * _NC + c
        pltpu.sync_copy(dst_hbm.at[w], dst_v)
        pltpu.sync_copy(zrow_hbm, hist_v)
        ones = jnp.full((16,), 1.0, jnp.float32)

        def body(i, carry):
            for u in range(8):
                idx = dst_v[pl.ds((i * 8 + u) * 16, 16)]
                plsc.addupdate_scatter(hist_v, [idx], ones)
            return carry

        lax.fori_loop(0, ept // 128, body, 0)
        pltpu.sync_copy(hist_v, hist_hbm.at[w])

    return deg_hist


_NSTAGE = 4


def _edge_scatter_kernel(npad, nh, cpt):
    mesh = plsc.VectorSubcoreMesh(core_axis_name="c", subcore_axis_name="s")
    rpt = npad // _NS
    spc = cpt // _NSTAGE
    rounds = spc // _NBUF

    @functools.partial(
        pl.kernel,
        out_type=jax.ShapeDtypeStruct((_NC, npad, nh), jnp.float32),
        mesh=mesh,
        scratch_types=[
            pltpu.VMEM((spc, _CH), jnp.int32),
            pltpu.VMEM((spc, _CH), jnp.int32),
            pltpu.VMEM((_CH, nh), jnp.float32),
            pltpu.VMEM((_CH, nh), jnp.float32),
            pltpu.VMEM((_CH, nh), jnp.float32),
            pltpu.VMEM((_CH, nh), jnp.float32),
            pltpu.VMEM_SHARED((npad, nh), jnp.float32),
            pltpu.VMEM_SHARED((npad, nh), jnp.float32),
            pltpu.SemaphoreType.DMA,
            pltpu.SemaphoreType.DMA,
            pltpu.SemaphoreType.DMA,
            pltpu.SemaphoreType.DMA,
            pltpu.SemaphoreType.DMA,
            pltpu.SemaphoreType.DMA,
            pltpu.SemaphoreType.DMA,
            pltpu.SemaphoreType.DMA,
        ],
        compiler_params=pltpu.CompilerParams(use_tc_tiling_on_sc=False),
    )
    def edge_scatter(g_hbm, src_hbm, dst_hbm, zero_hbm, part_hbm,
                     src_v, dst_v, b0, b1, b2, b3, table, acc,
                     gs0, gs1, gs2, gs3, ss0, ss1, ss2, ss3):
        bufs = [b0, b1, b2, b3]
        gsems = [gs0, gs1, gs2, gs3]
        ssems = [ss0, ss1, ss2, ss3]
        c = lax.axis_index("c")
        s = lax.axis_index("s")
        pltpu.sync_copy(g_hbm.at[c].at[pl.ds(s * rpt, rpt)],
                        table.at[pl.ds(s * rpt, rpt)])
        pltpu.sync_copy(zero_hbm.at[pl.ds(s * rpt, rpt)],
                        acc.at[pl.ds(s * rpt, rpt)])
        plsc.subcore_barrier()

        for q in range(_NSTAGE):
            pltpu.sync_copy(src_hbm.at[s].at[pl.ds(q * spc, spc)], src_v)
            pltpu.sync_copy(dst_hbm.at[s].at[pl.ds(q * spc, spc)], dst_v)

            def body(t, carry):
                for b in range(_NBUF):
                    j = t * _NBUF + b
                    pltpu.async_copy(table.at[src_v.at[j]], bufs[b],
                                     gsems[b])
                for b in range(_NBUF):
                    j = t * _NBUF + b
                    pltpu.make_async_copy(table.at[src_v.at[j]], bufs[b],
                                          gsems[b]).wait()
                    pltpu.async_copy(bufs[b], acc.at[dst_v.at[j]],
                                     ssems[b], add=True)
                for b in range(_NBUF):
                    j = t * _NBUF + b
                    pltpu.make_async_copy(bufs[b], acc.at[dst_v.at[j]],
                                          ssems[b]).wait()
                return carry

            lax.fori_loop(0, rounds, body, 0)

        plsc.subcore_barrier()
        pltpu.sync_copy(acc.at[pl.ds(s * rpt, rpt)],
                        part_hbm.at[c].at[pl.ds(s * rpt, rpt)])

    return edge_scatter


def kernel(x, edge_index, W, b):
    n, nfeat = x.shape
    nhid = W.shape[1]
    nh = nhid // 2
    e = edge_index.shape[1]

    npad = ((n + 1 + 511) // 512) * 512

    src = edge_index[0]
    dst = edge_index[1]

    cpt = -(-e // (_NS * _CH))
    cpt = -(-cpt // (_NBUF * _NSTAGE)) * (_NBUF * _NSTAGE)
    epad = _NS * cpt * _CH
    fill = jnp.full((epad - e,), n, jnp.int32)
    src_p = jnp.concatenate([src, fill])
    dst_p = jnp.concatenate([dst, fill])
    src_sc = src_p.reshape(_NS, cpt, _CH)
    dst_sc = dst_p.reshape(_NS, cpt, _CH)

    ept32 = epad // _NW
    assert ept32 % 16 == 0
    dst_flat = dst_p.reshape(_NW, ept32)

    zrow = jnp.zeros((npad,), jnp.float32)
    zhalf = jnp.zeros((npad, nh), jnp.float32)

    hist = _deg_hist_kernel(npad, ept32)(dst_flat, zrow)

    rb = 512

    def g_body(x_ref, w_ref, hist_ref, g_ref, dinv_ref):
        deg = jnp.sum(hist_ref[...], axis=0) + 1.0
        dinv = lax.rsqrt(deg)
        h = jnp.dot(x_ref[...], w_ref[...],
                    preferred_element_type=jnp.float32)
        hd = h * dinv[:, None]
        g_ref[0] = hd[:, :nh]
        g_ref[1] = hd[:, nh:]
        dinv_ref[...] = dinv[:, None]

    g2, dinv2 = pl.pallas_call(
        g_body,
        grid=(npad // rb,),
        in_specs=[
            pl.BlockSpec((rb, nfeat), lambda i: (i, 0)),
            pl.BlockSpec((nfeat, nhid), lambda i: (0, 0)),
            pl.BlockSpec((_NW, rb), lambda i: (0, i)),
        ],
        out_specs=[
            pl.BlockSpec((_NC, rb, nh), lambda i: (0, i, 0)),
            pl.BlockSpec((rb, 1), lambda i: (i, 0)),
        ],
        out_shape=[
            jax.ShapeDtypeStruct((_NC, npad, nh), jnp.float32),
            jax.ShapeDtypeStruct((npad, 1), jnp.float32),
        ],
    )(x, W, hist)

    part = _edge_scatter_kernel(npad, nh, cpt)(g2, src_sc, dst_sc, zhalf)

    fb = 400
    assert n % fb == 0

    def fin_body(p_ref, g_ref, dinv_ref, b_ref, o_ref):
        dinv = dinv_ref[...]
        a0 = (p_ref[0] + g_ref[0]) * dinv
        a1 = (p_ref[1] + g_ref[1]) * dinv
        acc = jnp.concatenate([a0, a1], axis=1)
        o_ref[...] = jnp.maximum(acc + b_ref[...], 0.0)

    out = pl.pallas_call(
        fin_body,
        grid=(n // fb,),
        in_specs=[
            pl.BlockSpec((_NC, fb, nh), lambda i: (0, i, 0)),
            pl.BlockSpec((_NC, fb, nh), lambda i: (0, i, 0)),
            pl.BlockSpec((fb, 1), lambda i: (i, 0)),
            pl.BlockSpec((1, nhid), lambda i: (0, 0)),
        ],
        out_specs=pl.BlockSpec((fb, nhid), lambda i: (i, 0)),
        out_shape=jax.ShapeDtypeStruct((n, nhid), jnp.float32),
    )(part, g2, dinv2, b.reshape(1, nhid))

    return out

# --- scband reference (transcript-rebuilt; emitter-appended) ---
"""Pipeline reference for scband-gcn-body-56006373539865 (READ-ONLY COPY).

The authoritative reference and input builder live on the scoring server;
editing this copy changes nothing except your own understanding.
"""

import jax, jax.numpy as jnp
import numpy as np

N = 10000
E = 320000
NFEAT = 128
NHID = 128


def setup_inputs(seed: int = 0) -> dict:
    key = jax.random.key(seed)
    k1, k2, k3, k4 = jax.random.split(key, 4)
    x = jax.random.normal(k1, (N, NFEAT), dtype=jnp.float32)
    edge_index = jax.random.randint(k2, (2, E), 0, N, dtype=jnp.int32)
    # GCNConv learned params: linear weight (no bias in lin) + bias added after aggregation
    W = jax.random.normal(k3, (NFEAT, NHID), dtype=jnp.float32) * (1.0 / np.sqrt(NFEAT))
    b = jnp.zeros((NHID,), dtype=jnp.float32)
    return {"x": x, "edge_index": edge_index, "W": W, "b": b}


def reference(x, edge_index, W, b):
    # Faithful PyG GCNConv: add self-loops, symmetric normalization,
    # message = norm * (x @ W)[src], scatter-add to dst, then bias; then ReLU transition.
    src = edge_index[0]
    dst = edge_index[1]
    loop = jnp.arange(N, dtype=src.dtype)
    src = jnp.concatenate([src, loop])
    dst = jnp.concatenate([dst, loop])
    h = x @ W
    deg = jnp.zeros((N,), dtype=h.dtype).at[dst].add(1.0)
    dinv = jnp.where(deg > 0, 1.0 / jnp.sqrt(deg), 0.0)
    norm = dinv[src] * dinv[dst]
    msg = h[src] * norm[:, None]
    out = jnp.zeros((N, NHID), dtype=h.dtype).at[dst].add(msg)
    out = out + b
    return jax.nn.relu(out)

if __name__ == "__main__":
    import jax
    _d = setup_inputs()
    print(jax.jit(kernel)(*tuple(_d.values())))

</pallas_src>

<mosaic_0001>
#map = affine_map<(d0, d1) -> (0, 0, 0)>
#map1 = affine_map<(d0, d1) -> (0, 0)>
module attributes {stable_mosaic.version = 14 : i64} {
  func.func @edge_scatter(%arg0: i32, %arg1: i32, %arg2: memref<2x10240x64xf32, #tpu.memory_space<hbm>>, %arg3: memref<16x160x128xi32, #tpu.memory_space<hbm>>, %arg4: memref<16x160x128xi32, #tpu.memory_space<hbm>>, %arg5: memref<10240x64xf32, #tpu.memory_space<hbm>>, %arg6: memref<2x10240x64xf32, #tpu.memory_space<hbm>>, %arg7: memref<40x128xi32, #tpu.memory_space<vmem>>, %arg8: memref<40x128xi32, #tpu.memory_space<vmem>>, %arg9: memref<128x64xf32, #tpu.memory_space<vmem>>, %arg10: memref<128x64xf32, #tpu.memory_space<vmem>>, %arg11: memref<128x64xf32, #tpu.memory_space<vmem>>, %arg12: memref<128x64xf32, #tpu.memory_space<vmem>>, %arg13: memref<10240x64xf32, #tpu.memory_space<vmem_shared>>, %arg14: memref<10240x64xf32, #tpu.memory_space<vmem_shared>>, %arg15: memref<!tpu.dma_semaphore, #tpu.memory_space<semaphore_mem>>, %arg16: memref<!tpu.dma_semaphore, #tpu.memory_space<semaphore_mem>>, %arg17: memref<!tpu.dma_semaphore, #tpu.memory_space<semaphore_mem>>, %arg18: memref<!tpu.dma_semaphore, #tpu.memory_space<semaphore_mem>>, %arg19: memref<!tpu.dma_semaphore, #tpu.memory_space<semaphore_mem>>, %arg20: memref<!tpu.dma_semaphore, #tpu.memory_space<semaphore_mem>>, %arg21: memref<!tpu.dma_semaphore, #tpu.memory_space<semaphore_mem>>, %arg22: memref<!tpu.dma_semaphore, #tpu.memory_space<semaphore_mem>>) attributes {dimension_semantics = [#tpu.dimension_semantics<core_parallel>, #tpu.dimension_semantics<subcore_parallel>], iteration_bounds = array<i64: 2, 16>, scalar_prefetch = 0 : i64, scratch_operands = 16 : i64, tpu.core_type = #tpu.core_type<sc_vector_subcore>, window_params = [{transform_indices = #map}, {transform_indices = #map}, {transform_indices = #map}, {transform_indices = #map1}, {transform_indices = #map}]} {
    %mul3A = arith.constant 640 : i32
    %mul3A_0 = arith.muli %arg1, %mul3A : i32
    %mul3A_1 = arith.constant 640 : i32
    %mul3A_2 = arith.muli %arg1, %mul3A_1 : i32
    "tpu.region"() ({
      %run_scoped3A = tpu.sem_alloc : memref<!tpu.dma_semaphore, #tpu.memory_space<semaphore_mem>>
      %dma_start3A = arith.constant 0 : i32
      %dma_start3A_35 = tpu.memref_slice %arg13[%mul3A_2, %dma_start3A] : memref<10240x64xf32, #tpu.memory_space<vmem_shared>> -> memref<640x64xf32, #tpu.memory_space<vmem_shared>>
      %dma_start3A_36 = arith.constant 0 : i32
      %dma_start3A_37 = arith.constant 0 : i32
      %dma_start3A_38 = tpu.memref_slice %arg2[%arg0, %dma_start3A_36, %dma_start3A_37] : memref<2x10240x64xf32, #tpu.memory_space<hbm>> -> memref<1x10240x64xf32, #tpu.memory_space<hbm>>
      %dma_start3A_39 = tpu.memref_squeeze %dma_start3A_38 : memref<1x10240x64xf32, #tpu.memory_space<hbm>> -> memref<10240x64xf32, #tpu.memory_space<hbm>>
      %dma_start3A_40 = arith.constant 0 : i32
      %dma_start3A_41 = tpu.memref_slice %dma_start3A_39[%mul3A_0, %dma_start3A_40] : memref<10240x64xf32, #tpu.memory_space<hbm>> -> memref<640x64xf32, #tpu.memory_space<hbm>>
      tpu.enqueue_dma source(%dma_start3A_41 : memref<640x64xf32, #tpu.memory_space<hbm>>) target(%dma_start3A_35 : memref<640x64xf32, #tpu.memory_space<vmem_shared>>) target_semaphore(%run_scoped3A : memref<!tpu.dma_semaphore, #tpu.memory_space<semaphore_mem>>)
      %dma_wait3A = arith.constant 0 : i32
      %dma_wait3A_42 = tpu.memref_slice %arg13[%mul3A_2, %dma_wait3A] : memref<10240x64xf32, #tpu.memory_space<vmem_shared>> -> memref<640x64xf32, #tpu.memory_space<vmem_shared>>
      %dma_wait3A_43 = arith.constant 0 : i32
      %dma_wait3A_44 = arith.constant 0 : i32
      %dma_wait3A_45 = tpu.memref_slice %arg2[%arg0, %dma_wait3A_43, %dma_wait3A_44] : memref<2x10240x64xf32, #tpu.memory_space<hbm>> -> memref<1x10240x64xf32, #tpu.memory_space<hbm>>
      %dma_wait3A_46 = tpu.memref_squeeze %dma_wait3A_45 : memref<1x10240x64xf32, #tpu.memory_space<hbm>> -> memref<10240x64xf32, #tpu.memory_space<hbm>>
      %dma_wait3A_47 = arith.constant 0 : i32
      %dma_wait3A_48 = tpu.memref_slice %dma_wait3A_46[%mul3A_0, %dma_wait3A_47] : memref<10240x64xf32, #tpu.memory_space<hbm>> -> memref<640x64xf32, #tpu.memory_space<hbm>>
      tpu.wait_dma2 semaphore(%run_scoped3A : memref<!tpu.dma_semaphore, #tpu.memory_space<semaphore_mem>>) src(%dma_wait3A_48 : memref<640x64xf32, #tpu.memory_space<hbm>>) dst(%dma_wait3A_42 : memref<640x64xf32, #tpu.memory_space<vmem_shared>>)
      tpu.yield
    }) : () -> ()
    %mul3A_3 = arith.constant 640 : i32
    %mul3A_4 = arith.muli %arg1, %mul3A_3 : i32
    %mul3A_5 = arith.constant 640 : i32
    %mul3A_6 = arith.muli %arg1, %mul3A_5 : i32
    "tpu.region"() ({
      %run_scoped3A = tpu.sem_alloc : memref<!tpu.dma_semaphore, #tpu.memory_space<semaphore_mem>>
      %dma_start3A = arith.constant 0 : i32
      %dma_start3A_35 = tpu.memref_slice %arg14[%mul3A_6, %dma_start3A] : memref<10240x64xf32, #tpu.memory_space<vmem_shared>> -> memref<640x64xf32, #tpu.memory_space<vmem_shared>>
      %dma_start3A_36 = arith.constant 0 : i32
      %dma_start3A_37 = tpu.memref_slice %arg5[%mul3A_4, %dma_start3A_36] : memref<10240x64xf32, #tpu.memory_space<hbm>> -> memref<640x64xf32, #tpu.memory_space<hbm>>
      tpu.enqueue_dma source(%dma_start3A_37 : memref<640x64xf32, #tpu.memory_space<hbm>>) target(%dma_start3A_35 : memref<640x64xf32, #tpu.memory_space<vmem_shared>>) target_semaphore(%run_scoped3A : memref<!tpu.dma_semaphore, #tpu.memory_space<semaphore_mem>>)
      %dma_wait3A = arith.constant 0 : i32
      %dma_wait3A_38 = tpu.memref_slice %arg14[%mul3A_6, %dma_wait3A] : memref<10240x64xf32, #tpu.memory_space<vmem_shared>> -> memref<640x64xf32, #tpu.memory_space<vmem_shared>>
      %dma_wait3A_39 = arith.constant 0 : i32
      %dma_wait3A_40 = tpu.memref_slice %arg5[%mul3A_4, %dma_wait3A_39] : memref<10240x64xf32, #tpu.memory_space<hbm>> -> memref<640x64xf32, #tpu.memory_space<hbm>>
      tpu.wait_dma2 semaphore(%run_scoped3A : memref<!tpu.dma_semaphore, #tpu.memory_space<semaphore_mem>>) src(%dma_wait3A_40 : memref<640x64xf32, #tpu.memory_space<hbm>>) dst(%dma_wait3A_38 : memref<640x64xf32, #tpu.memory_space<vmem_shared>>)
      tpu.yield
    }) : () -> ()
    %barrier3A = arith.constant 0 : index
    tpu.barrier barrier_id(%barrier3A)
    "tpu.region"() ({
      %run_scoped3A = tpu.sem_alloc : memref<!tpu.dma_semaphore, #tpu.memory_space<semaphore_mem>>
      %dma_start3A = arith.constant 0 : i32
      %dma_start3A_35 = arith.constant 0 : i32
      %dma_start3A_36 = tpu.memref_slice %arg3[%arg1, %dma_start3A, %dma_start3A_35] : memref<16x160x128xi32, #tpu.memory_space<hbm>> -> memref<1x160x128xi32, #tpu.memory_space<hbm>>
      %dma_start3A_37 = tpu.memref_squeeze %dma_start3A_36 : memref<1x160x128xi32, #tpu.memory_space<hbm>> -> memref<160x128xi32, #tpu.memory_space<hbm>>
      %dma_start3A_38 = arith.constant 0 : i32
      %dma_start3A_39 = arith.constant 0 : i32
      %dma_start3A_40 = tpu.memref_slice %dma_start3A_37[%dma_start3A_38, %dma_start3A_39] : memref<160x128xi32, #tpu.memory_space<hbm>> -> memref<40x128xi32, #tpu.memory_space<hbm>>
      %dma_start3A_41 = arith.constant 0 : i32
      %dma_start3A_42 = arith.constant 0 : i32
      %dma_start3A_43 = tpu.memref_slice %arg3[%arg1, %dma_start3A_41, %dma_start3A_42] : memref<16x160x128xi32, #tpu.memory_space<hbm>> -> memref<1x160x128xi32, #tpu.memory_space<hbm>>
      %dma_start3A_44 = tpu.memref_squeeze %dma_start3A_43 : memref<1x160x128xi32, #tpu.memory_space<hbm>> -> memref<160x128xi32, #tpu.memory_space<hbm>>
      %dma_start3A_45 = arith.constant 0 : i32
      %dma_start3A_46 = arith.constant 0 : i32
      %dma_start3A_47 = tpu.memref_slice %dma_start3A_44[%dma_start3A_45, %dma_start3A_46] : memref<160x128xi32, #tpu.memory_space<hbm>> -> memref<40x128xi32, #tpu.memory_space<hbm>>
      tpu.enqueue_dma source(%dma_start3A_47 : memref<40x128xi32, #tpu.memory_space<hbm>>) target(%arg7 : memref<40x128xi32, #tpu.memory_space<vmem>>) target_semaphore(%run_scoped3A : memref<!tpu.dma_semaphore, #tpu.memory_space<semaphore_mem>>)
      %dma_wait3A = arith.constant 0 : i32
      %dma_wait3A_48 = arith.constant 0 : i32
      %dma_wait3A_49 = tpu.memref_slice %arg3[%arg1, %dma_wait3A, %dma_wait3A_48] : memref<16x160x128xi32, #tpu.memory_space<hbm>> -> memref<1x160x128xi32, #tpu.memory_space<hbm>>
      %dma_wait3A_50 = tpu.memref_squeeze %dma_wait3A_49 : memref<1x160x128xi32, #tpu.memory_space<hbm>> -> memref<160x128xi32, #tpu.memory_space<hbm>>
      %dma_wait3A_51 = arith.constant 0 : i32
      %dma_wait3A_52 = arith.constant 0 : i32
      %dma_wait3A_53 = tpu.memref_slice %dma_wait3A_50[%dma_wait3A_51, %dma_wait3A_52] : memref<160x128xi32, #tpu.memory_space<hbm>> -> memref<40x128xi32, #tpu.memory_space<hbm>>
      %dma_wait3A_54 = arith.constant 0 : i32
      %dma_wait3A_55 = arith.constant 0 : i32
      %dma_wait3A_56 = tpu.memref_slice %arg3[%arg1, %dma_wait3A_54, %dma_wait3A_55] : memref<16x160x128xi32, #tpu.memory_space<hbm>> -> memref<1x160x128xi32, #tpu.memory_space<hbm>>
      %dma_wait3A_57 = tpu.memref_squeeze %dma_wait3A_56 : memref<1x160x128xi32, #tpu.memory_space<hbm>> -> memref<160x128xi32, #tpu.memory_space<hbm>>
      %dma_wait3A_58 = arith.constant 0 : i32
      %dma_wait3A_59 = arith.constant 0 : i32
      %dma_wait3A_60 = tpu.memref_slice %dma_wait3A_57[%dma_wait3A_58, %dma_wait3A_59] : memref<160x128xi32, #tpu.memory_space<hbm>> -> memref<40x128xi32, #tpu.memory_space<hbm>>
      tpu.wait_dma2 semaphore(%run_scoped3A : memref<!tpu.dma_semaphore, #tpu.memory_space<semaphore_mem>>) src(%dma_wait3A_60 : memref<40x128xi32, #tpu.memory_space<hbm>>) dst(%arg7 : memref<40x128xi32, #tpu.memory_space<vmem>>)
      tpu.yield
    }) : () -> ()
    "tpu.region"() ({
      %run_scoped3A = tpu.sem_alloc : memref<!tpu.dma_semaphore, #tpu.memory_space<semaphore_mem>>
      %dma_start3A = arith.constant 0 : i32
      %dma_start3A_35 = arith.constant 0 : i32
      %dma_start3A_36 = tpu.memref_slice %arg4[%arg1, %dma_start3A, %dma_start3A_35] : memref<16x160x128xi32, #tpu.memory_space<hbm>> -> memref<1x160x128xi32, #tpu.memory_space<hbm>>
      %dma_start3A_37 = tpu.memref_squeeze %dma_start3A_36 : memref<1x160x128xi32, #tpu.memory_space<hbm>> -> memref<160x128xi32, #tpu.memory_space<hbm>>
      %dma_start3A_38 = arith.constant 0 : i32
      %dma_start3A_39 = arith.constant 0 : i32
      %dma_start3A_40 = tpu.memref_slice %dma_start3A_37[%dma_start3A_38, %dma_start3A_39] : memref<160x128xi32, #tpu.memory_space<hbm>> -> memref<40x128xi32, #tpu.memory_space<hbm>>
      %dma_start3A_41 = arith.constant 0 : i32
      %dma_start3A_42 = arith.constant 0 : i32
      %dma_start3A_43 = tpu.memref_slice %arg4[%arg1, %dma_start3A_41, %dma_start3A_42] : memref<16x160x128xi32, #tpu.memory_space<hbm>> -> memref<1x160x128xi32, #tpu.memory_space<hbm>>
      %dma_start3A_44 = tpu.memref_squeeze %dma_start3A_43 : memref<1x160x128xi32, #tpu.memory_space<hbm>> -> memref<160x128xi32, #tpu.memory_space<hbm>>
      %dma_start3A_45 = arith.constant 0 : i32
      %dma_start3A_46 = arith.constant 0 : i32
      %dma_start3A_47 = tpu.memref_slice %dma_start3A_44[%dma_start3A_45, %dma_start3A_46] : memref<160x128xi32, #tpu.memory_space<hbm>> -> memref<40x128xi32, #tpu.memory_space<hbm>>
      tpu.enqueue_dma source(%dma_start3A_47 : memref<40x128xi32, #tpu.memory_space<hbm>>) target(%arg8 : memref<40x128xi32, #tpu.memory_space<vmem>>) target_semaphore(%run_scoped3A : memref<!tpu.dma_semaphore, #tpu.memory_space<semaphore_mem>>)
      %dma_wait3A = arith.constant 0 : i32
      %dma_wait3A_48 = arith.constant 0 : i32
      %dma_wait3A_49 = tpu.memref_slice %arg4[%arg1, %dma_wait3A, %dma_wait3A_48] : memref<16x160x128xi32, #tpu.memory_space<hbm>> -> memref<1x160x128xi32, #tpu.memory_space<hbm>>
      %dma_wait3A_50 = tpu.memref_squeeze %dma_wait3A_49 : memref<1x160x128xi32, #tpu.memory_space<hbm>> -> memref<160x128xi32, #tpu.memory_space<hbm>>
      %dma_wait3A_51 = arith.constant 0 : i32
      %dma_wait3A_52 = arith.constant 0 : i32
      %dma_wait3A_53 = tpu.memref_slice %dma_wait3A_50[%dma_wait3A_51, %dma_wait3A_52] : memref<160x128xi32, #tpu.memory_space<hbm>> -> memref<40x128xi32, #tpu.memory_space<hbm>>
      %dma_wait3A_54 = arith.constant 0 : i32
      %dma_wait3A_55 = arith.constant 0 : i32
      %dma_wait3A_56 = tpu.memref_slice %arg4[%arg1, %dma_wait3A_54, %dma_wait3A_55] : memref<16x160x128xi32, #tpu.memory_space<hbm>> -> memref<1x160x128xi32, #tpu.memory_space<hbm>>
      %dma_wait3A_57 = tpu.memref_squeeze %dma_wait3A_56 : memref<1x160x128xi32, #tpu.memory_space<hbm>> -> memref<160x128xi32, #tpu.memory_space<hbm>>
      %dma_wait3A_58 = arith.constant 0 : i32
      %dma_wait3A_59 = arith.constant 0 : i32
      %dma_wait3A_60 = tpu.memref_slice %dma_wait3A_57[%dma_wait3A_58, %dma_wait3A_59] : memref<160x128xi32, #tpu.memory_space<hbm>> -> memref<40x128xi32, #tpu.memory_space<hbm>>
      tpu.wait_dma2 semaphore(%run_scoped3A : memref<!tpu.dma_semaphore, #tpu.memory_space<semaphore_mem>>) src(%dma_wait3A_60 : memref<40x128xi32, #tpu.memory_space<hbm>>) dst(%arg8 : memref<40x128xi32, #tpu.memory_space<vmem>>)
      tpu.yield
    }) : () -> ()
    %scan3A = arith.constant 0 : i32
    %scan3A_7 = arith.constant 0 : i32
    %scan3A_8 = arith.constant 10 : i32
    %scan3A_9 = arith.addi %scan3A_7, %scan3A_8 : i32
    %scan3A_10 = arith.constant 1 : i32
    scf.for %scan3A_35 = %scan3A_7 to %scan3A_9 step %scan3A_10  : i32 {
      %mul3A_36 = arith.constant 4 : i32
      %mul3A_37 = arith.muli %scan3A_35, %mul3A_36 : i32
      %add3A = arith.constant 0 : i32
      %add3A_38 = arith.addi %mul3A_37, %add3A : i32
      %dma_start3A = arith.constant 0 : i32
      %dma_start3A_39 = tpu.memref_slice %arg7[%add3A_38, %dma_start3A] : memref<40x128xi32, #tpu.memory_space<vmem>> -> memref<1x128xi32, #tpu.memory_space<vmem>>
      %dma_start3A_40 = tpu.memref_squeeze %dma_start3A_39 : memref<1x128xi32, #tpu.memory_space<vmem>> -> memref<128xi32, #tpu.memory_space<vmem>>
      %dma_start3A_41 = arith.constant 0 : i32
      %dma_start3A_42 = arith.constant 0 : i32
      %dma_start3A_43 = tpu.memref_slice %arg13[%dma_start3A_41, %dma_start3A_42] : memref<10240x64xf32, #tpu.memory_space<vmem_shared>> -> memref<10240x64xf32, #tpu.memory_space<vmem_shared>>
      tpu.enqueue_indirect_dma source(%dma_start3A_43 : memref<10240x64xf32, #tpu.memory_space<vmem_shared>>) target(%arg9 : memref<128x64xf32, #tpu.memory_space<vmem>>) offsets(%dma_start3A_40 : memref<128xi32, #tpu.memory_space<vmem>>) semaphore(%arg15 : memref<!tpu.dma_semaphore, #tpu.memory_space<semaphore_mem>>)
      %mul3A_44 = arith.constant 4 : i32
      %mul3A_45 = arith.muli %scan3A_35, %mul3A_44 : i32
      %add3A_46 = arith.constant 1 : i32
      %add3A_47 = arith.addi %mul3A_45, %add3A_46 : i32
      %dma_start3A_48 = arith.constant 0 : i32
      %dma_start3A_49 = tpu.memref_slice %arg7[%add3A_47, %dma_start3A_48] : memref<40x128xi32, #tpu.memory_space<vmem>> -> memref<1x128xi32, #tpu.memory_space<vmem>>
      %dma_start3A_50 = tpu.memref_squeeze %dma_start3A_49 : memref<1x128xi32, #tpu.memory_space<vmem>> -> memref<128xi32, #tpu.memory_space<vmem>>
      %dma_start3A_51 = arith.constant 0 : i32
      %dma_start3A_52 = arith.constant 0 : i32
      %dma_start3A_53 = tpu.memref_slice %arg13[%dma_start3A_51, %dma_start3A_52] : memref<10240x64xf32, #tpu.memory_space<vmem_shared>> -> memref<10240x64xf32, #tpu.memory_space<vmem_shared>>
      tpu.enqueue_indirect_dma source(%dma_start3A_53 : memref<10240x64xf32, #tpu.memory_space<vmem_shared>>) target(%arg10 : memref<128x64xf32, #tpu.memory_space<vmem>>) offsets(%dma_start3A_50 : memref<128xi32, #tpu.memory_space<vmem>>) semaphore(%arg16 : memref<!tpu.dma_semaphore, #tpu.memory_space<semaphore_mem>>)
      %mul3A_54 = arith.constant 4 : i32
      %mul3A_55 = arith.muli %scan3A_35, %mul3A_54 : i32
      %add3A_56 = arith.constant 2 : i32
      %add3A_57 = arith.addi %mul3A_55, %add3A_56 : i32
      %dma_start3A_58 = arith.constant 0 : i32
      %dma_start3A_59 = tpu.memref_slice %arg7[%add3A_57, %dma_start3A_58] : memref<40x128xi32, #tpu.memory_space<vmem>> -> memref<1x128xi32, #tpu.memory_space<vmem>>
      %dma_start3A_60 = tpu.memref_squeeze %dma_start3A_59 : memref<1x128xi32, #tpu.memory_space<vmem>> -> memref<128xi32, #tpu.memory_space<vmem>>
      %dma_start3A_61 = arith.constant 0 : i32
      %dma_start3A_62 = arith.constant 0 : i32
      %dma_start3A_63 = tpu.memref_slice %arg13[%dma_start3A_61, %dma_start3A_62] : memref<10240x64xf32, #tpu.memory_space<vmem_shared>> -> memref<10240x64xf32, #tpu.memory_space<vmem_shared>>
      tpu.enqueue_indirect_dma source(%dma_start3A_63 : memref<10240x64xf32, #tpu.memory_space<vmem_shared>>) target(%arg11 : memref<128x64xf32, #tpu.memory_space<vmem>>) offsets(%dma_start3A_60 : memref<128xi32, #tpu.memory_space<vmem>>) semaphore(%arg17 : memref<!tpu.dma_semaphore, #tpu.memory_space<semaphore_mem>>)
      %mul3A_64 = arith.constant 4 : i32
      %mul3A_65 = arith.muli %scan3A_35, %mul3A_64 : i32
      %add3A_66 = arith.constant 3 : i32
      %add3A_67 = arith.addi %mul3A_65, %add3A_66 : i32
      %dma_start3A_68 = arith.constant 0 : i32
      %dma_start3A_69 = tpu.memref_slice %arg7[%add3A_67, %dma_start3A_68] : memref<40x128xi32, #tpu.memory_space<vmem>> -> memref<1x128xi32, #tpu.memory_space<vmem>>
      %dma_start3A_70 = tpu.memref_squeeze %dma_start3A_69 : memref<1x128xi32, #tpu.memory_space<vmem>> -> memref<128xi32, #tpu.memory_space<vmem>>
      %dma_start3A_71 = arith.constant 0 : i32
      %dma_start3A_72 = arith.constant 0 : i32
      %dma_start3A_73 = tpu.memref_slice %arg13[%dma_start3A_71, %dma_start3A_72] : memref<10240x64xf32, #tpu.memory_space<vmem_shared>> -> memref<10240x64xf32, #tpu.memory_space<vmem_shared>>
      tpu.enqueue_indirect_dma source(%dma_start3A_73 : memref<10240x64xf32, #tpu.memory_space<vmem_shared>>) target(%arg12 : memref<128x64xf32, #tpu.memory_space<vmem>>) offsets(%dma_start3A_70 : memref<128xi32, #tpu.memory_space<vmem>>) semaphore(%arg18 : memref<!tpu.dma_semaphore, #tpu.memory_space<semaphore_mem>>)
      %mul3A_74 = arith.constant 4 : i32
      %mul3A_75 = arith.muli %scan3A_35, %mul3A_74 : i32
      %add3A_76 = arith.constant 0 : i32
      %add3A_77 = arith.addi %mul3A_75, %add3A_76 : i32
      %dma_wait3A = arith.constant 0 : i32
      %dma_wait3A_78 = tpu.memref_slice %arg7[%add3A_77, %dma_wait3A] : memref<40x128xi32, #tpu.memory_space<vmem>> -> memref<1x128xi32, #tpu.memory_space<vmem>>
      %dma_wait3A_79 = tpu.memref_squeeze %dma_wait3A_78 : memref<1x128xi32, #tpu.memory_space<vmem>> -> memref<128xi32, #tpu.memory_space<vmem>>
      %dma_wait3A_80 = arith.constant 0 : i32
      %dma_wait3A_81 = arith.constant 0 : i32
      %dma_wait3A_82 = tpu.memref_slice %arg13[%dma_wait3A_80, %dma_wait3A_81] : memref<10240x64xf32, #tpu.memory_space<vmem_shared>> -> memref<10240x64xf32, #tpu.memory_space<vmem_shared>>
      tpu.wait_indirect_dma semaphore(%arg15 : memref<!tpu.dma_semaphore, #tpu.memory_space<semaphore_mem>>) src(%dma_wait3A_82 : memref<10240x64xf32, #tpu.memory_space<vmem_shared>>) dst(%arg9 : memref<128x64xf32, #tpu.memory_space<vmem>>)
      %dma_start3A_83 = arith.constant 0 : i32
      %dma_start3A_84 = tpu.memref_slice %arg8[%add3A_77, %dma_start3A_83] : memref<40x128xi32, #tpu.memory_space<vmem>> -> memref<1x128xi32, #tpu.memory_space<vmem>>
      %dma_start3A_85 = tpu.memref_squeeze %dma_start3A_84 : memref<1x128xi32, #tpu.memory_space<vmem>> -> memref<128xi32, #tpu.memory_space<vmem>>
      %dma_start3A_86 = arith.constant 0 : i32
      %dma_start3A_87 = arith.constant 0 : i32
      %dma_start3A_88 = tpu.memref_slice %arg14[%dma_start3A_86, %dma_start3A_87] : memref<10240x64xf32, #tpu.memory_space<vmem_shared>> -> memref<10240x64xf32, #tpu.memory_space<vmem_shared>>
      tpu.enqueue_indirect_dma source(%arg9 : memref<128x64xf32, #tpu.memory_space<vmem>>) target(%dma_start3A_88 : memref<10240x64xf32, #tpu.memory_space<vmem_shared>>) offsets(%dma_start3A_85 : memref<128xi32, #tpu.memory_space<vmem>>) semaphore(%arg19 : memref<!tpu.dma_semaphore, #tpu.memory_space<semaphore_mem>>) {add = true}
      %mul3A_89 = arith.constant 4 : i32
      %mul3A_90 = arith.muli %scan3A_35, %mul3A_89 : i32
      %add3A_91 = arith.constant 1 : i32
      %add3A_92 = arith.addi %mul3A_90, %add3A_91 : i32
      %dma_wait3A_93 = arith.constant 0 : i32
      %dma_wait3A_94 = tpu.memref_slice %arg7[%add3A_92, %dma_wait3A_93] : memref<40x128xi32, #tpu.memory_space<vmem>> -> memref<1x128xi32, #tpu.memory_space<vmem>>
      %dma_wait3A_95 = tpu.memref_squeeze %dma_wait3A_94 : memref<1x128xi32, #tpu.memory_space<vmem>> -> memref<128xi32, #tpu.memory_space<vmem>>
      %dma_wait3A_96 = arith.constant 0 : i32
      %dma_wait3A_97 = arith.constant 0 : i32
      %dma_wait3A_98 = tpu.memref_slice %arg13[%dma_wait3A_96, %dma_wait3A_97] : memref<10240x64xf32, #tpu.memory_space<vmem_shared>> -> memref<10240x64xf32, #tpu.memory_space<vmem_shared>>
      tpu.wait_indirect_dma semaphore(%arg16 : memref<!tpu.dma_semaphore, #tpu.memory_space<semaphore_mem>>) src(%dma_wait3A_98 : memref<10240x64xf32, #tpu.memory_space<vmem_shared>>) dst(%arg10 : memref<128x64xf32, #tpu.memory_space<vmem>>)
      %dma_start3A_99 = arith.constant 0 : i32
      %dma_start3A_100 = tpu.memref_slice %arg8[%add3A_92, %dma_start3A_99] : memref<40x128xi32, #tpu.memory_space<vmem>> -> memref<1x128xi32, #tpu.memory_space<vmem>>
      %dma_start3A_101 = tpu.memref_squeeze %dma_start3A_100 : memref<1x128xi32, #tpu.memory_space<vmem>> -> memref<128xi32, #tpu.memory_space<vmem>>
      %dma_start3A_102 = arith.constant 0 : i32
      %dma_start3A_103 = arith.constant 0 : i32
      %dma_start3A_104 = tpu.memref_slice %arg14[%dma_start3A_102, %dma_start3A_103] : memref<10240x64xf32, #tpu.memory_space<vmem_shared>> -> memref<10240x64xf32, #tpu.memory_space<vmem_shared>>
      tpu.enqueue_indirect_dma source(%arg10 : memref<128x64xf32, #tpu.memory_space<vmem>>) target(%dma_start3A_104 : memref<10240x64xf32, #tpu.memory_space<vmem_shared>>) offsets(%dma_start3A_101 : memref<128xi32, #tpu.memory_space<vmem>>) semaphore(%arg20 : memref<!tpu.dma_semaphore, #tpu.memory_space<semaphore_mem>>) {add = true}
      %mul3A_105 = arith.constant 4 : i32
      %mul3A_106 = arith.muli %scan3A_35, %mul3A_105 : i32
      %add3A_107 = arith.constant 2 : i32
      %add3A_108 = arith.addi %mul3A_106, %add3A_107 : i32
      %dma_wait3A_109 = arith.constant 0 : i32
      %dma_wait3A_110 = tpu.memref_slice %arg7[%add3A_108, %dma_wait3A_109] : memref<40x128xi32, #tpu.memory_space<vmem>> -> memref<1x128xi32, #tpu.memory_space<vmem>>
      %dma_wait3A_111 = tpu.memref_squeeze %dma_wait3A_110 : memref<1x128xi32, #tpu.memory_space<vmem>> -> memref<128xi32, #tpu.memory_space<vmem>>
      %dma_wait3A_112 = arith.constant 0 : i32
      %dma_wait3A_113 = arith.constant 0 : i32
      %dma_wait3A_114 = tpu.memref_slice %arg13[%dma_wait3A_112, %dma_wait3A_113] : memref<10240x64xf32, #tpu.memory_space<vmem_shared>> -> memref<10240x64xf32, #tpu.memory_space<vmem_shared>>
      tpu.wait_indirect_dma semaphore(%arg17 : memref<!tpu.dma_semaphore, #tpu.memory_space<semaphore_mem>>) src(%dma_wait3A_114 : memref<10240x64xf32, #tpu.memory_space<vmem_shared>>) dst(%arg11 : memref<128x64xf32, #tpu.memory_space<vmem>>)
      %dma_start3A_115 = arith.constant 0 : i32
      %dma_start3A_116 = tpu.memref_slice %arg8[%add3A_108, %dma_start3A_115] : memref<40x128xi32, #tpu.memory_space<vmem>> -> memref<1x128xi32, #tpu.memory_space<vmem>>
      %dma_start3A_117 = tpu.memref_squeeze %dma_start3A_116 : memref<1x128xi32, #tpu.memory_space<vmem>> -> memref<128xi32, #tpu.memory_space<vmem>>
      %dma_start3A_118 = arith.constant 0 : i32
      %dma_start3A_119 = arith.constant 0 : i32
      %dma_start3A_120 = tpu.memref_slice %arg14[%dma_start3A_118, %dma_start3A_119] : memref<10240x64xf32, #tpu.memory_space<vmem_shared>> -> memref<10240x64xf32, #tpu.memory_space<vmem_shared>>
      tpu.enqueue_indirect_dma source(%arg11 : memref<128x64xf32, #tpu.memory_space<vmem>>) target(%dma_start3A_120 : memref<10240x64xf32, #tpu.memory_space<vmem_shared>>) offsets(%dma_start3A_117 : memref<128xi32, #tpu.memory_space<vmem>>) semaphore(%arg21 : memref<!tpu.dma_semaphore, #tpu.memory_space<semaphore_mem>>) {add = true}
      %mul3A_121 = arith.constant 4 : i32
      %mul3A_122 = arith.muli %scan3A_35, %mul3A_121 : i32
      %add3A_123 = arith.constant 3 : i32
      %add3A_124 = arith.addi %mul3A_122, %add3A_123 : i32
      %dma_wait3A_125 = arith.constant 0 : i32
      %dma_wait3A_126 = tpu.memref_slice %arg7[%add3A_124, %dma_wait3A_125] : memref<40x128xi32, #tpu.memory_space<vmem>> -> memref<1x128xi32, #tpu.memory_space<vmem>>
      %dma_wait3A_127 = tpu.memref_squeeze %dma_wait3A_126 : memref<1x128xi32, #tpu.memory_space<vmem>> -> memref<128xi32, #tpu.memory_space<vmem>>
      %dma_wait3A_128 = arith.constant 0 : i32
      %dma_wait3A_129 = arith.constant 0 : i32
      %dma_wait3A_130 = tpu.memref_slice %arg13[%dma_wait3A_128, %dma_wait3A_129] : memref<10240x64xf32, #tpu.memory_space<vmem_shared>> -> memref<10240x64xf32, #tpu.memory_space<vmem_shared>>
      tpu.wait_indirect_dma semaphore(%arg18 : memref<!tpu.dma_semaphore, #tpu.memory_space<semaphore_mem>>) src(%dma_wait3A_130 : memref<10240x64xf32, #tpu.memory_space<vmem_shared>>) dst(%arg12 : memref<128x64xf32, #tpu.memory_space<vmem>>)
      %dma_start3A_131 = arith.constant 0 : i32
      %dma_start3A_132 = tpu.memref_slice %arg8[%add3A_124, %dma_start3A_131] : memref<40x128xi32, #tpu.memory_space<vmem>> -> memref<1x128xi32, #tpu.memory_space<vmem>>
      %dma_start3A_133 = tpu.memref_squeeze %dma_start3A_132 : memref<1x128xi32, #tpu.memory_space<vmem>> -> memref<128xi32, #tpu.memory_space<vmem>>
      %dma_start3A_134 = arith.constant 0 : i32
      %dma_start3A_135 = arith.constant 0 : i32
      %dma_start3A_136 = tpu.memref_slice %arg14[%dma_start3A_134, %dma_start3A_135] : memref<10240x64xf32, #tpu.memory_space<vmem_shared>> -> memref<10240x64xf32, #tpu.memory_space<vmem_shared>>
      tpu.enqueue_indirect_dma source(%arg12 : memref<128x64xf32, #tpu.memory_space<vmem>>) target(%dma_start3A_136 : memref<10240x64xf32, #tpu.memory_space<vmem_shared>>) offsets(%dma_start3A_133 : memref<128xi32, #tpu.memory_space<vmem>>) semaphore(%arg22 : memref<!tpu.dma_semaphore, #tpu.memory_space<semaphore_mem>>) {add = true}
      %mul3A_137 = arith.constant 4 : i32
      %mul3A_138 = arith.muli %scan3A_35, %mul3A_137 : i32
      %add3A_139 = arith.constant 0 : i32
      %add3A_140 = arith.addi %mul3A_138, %add3A_139 : i32
      %dma_wait3A_141 = arith.constant 0 : i32
      %dma_wait3A_142 = tpu.memref_slice %arg8[%add3A_140, %dma_wait3A_141] : memref<40x128xi32, #tpu.memory_space<vmem>> -> memref<1x128xi32, #tpu.memory_space<vmem>>
      %dma_wait3A_143 = tpu.memref_squeeze %dma_wait3A_142 : memref<1x128xi32, #tpu.memory_space<vmem>> -> memref<128xi32, #tpu.memory_space<vmem>>
      %dma_wait3A_144 = arith.constant 0 : i32
      %dma_wait3A_145 = arith.constant 0 : i32
      %dma_wait3A_146 = tpu.memref_slice %arg14[%dma_wait3A_144, %dma_wait3A_145] : memref<10240x64xf32, #tpu.memory_space<vmem_shared>> -> memref<10240x64xf32, #tpu.memory_space<vmem_shared>>
      tpu.wait_indirect_dma semaphore(%arg19 : memref<!tpu.dma_semaphore, #tpu.memory_space<semaphore_mem>>) src(%arg9 : memref<128x64xf32, #tpu.memory_space<vmem>>) dst(%dma_wait3A_146 : memref<10240x64xf32, #tpu.memory_space<vmem_shared>>)
      %mul3A_147 = arith.constant 4 : i32
      %mul3A_148 = arith.muli %scan3A_35, %mul3A_147 : i32
      %add3A_149 = arith.constant 1 : i32
      %add3A_150 = arith.addi %mul3A_148, %add3A_149 : i32
      %dma_wait3A_151 = arith.constant 0 : i32
      %dma_wait3A_152 = tpu.memref_slice %arg8[%add3A_150, %dma_wait3A_151] : memref<40x128xi32, #tpu.memory_space<vmem>> -> memref<1x128xi32, #tpu.memory_space<vmem>>
      %dma_wait3A_153 = tpu.memref_squeeze %dma_wait3A_152 : memref<1x128xi32, #tpu.memory_space<vmem>> -> memref<128xi32, #tpu.memory_space<vmem>>
      %dma_wait3A_154 = arith.constant 0 : i32
      %dma_wait3A_155 = arith.constant 0 : i32
      %dma_wait3A_156 = tpu.memref_slice %arg14[%dma_wait3A_154, %dma_wait3A_155] : memref<10240x64xf32, #tpu.memory_space<vmem_shared>> -> memref<10240x64xf32, #tpu.memory_space<vmem_shared>>
      tpu.wait_indirect_dma semaphore(%arg20 : memref<!tpu.dma_semaphore, #tpu.memory_space<semaphore_mem>>) src(%arg10 : memref<128x64xf32, #tpu.memory_space<vmem>>) dst(%dma_wait3A_156 : memref<10240x64xf32, #tpu.memory_space<vmem_shared>>)
      %mul3A_157 = arith.constant 4 : i32
      %mul3A_158 = arith.muli %scan3A_35, %mul3A_157 : i32
      %add3A_159 = arith.constant 2 : i32
      %add3A_160 = arith.addi %mul3A_158, %add3A_159 : i32
      %dma_wait3A_161 = arith.constant 0 : i32
      %dma_wait3A_162 = tpu.memref_slice %arg8[%add3A_160, %dma_wait3A_161] : memref<40x128xi32, #tpu.memory_space<vmem>> -> memref<1x128xi32, #tpu.memory_space<vmem>>
      %dma_wait3A_163 = tpu.memref_squeeze %dma_wait3A_162 : memref<1x128xi32, #tpu.memory_space<vmem>> -> memref<128xi32, #tpu.memory_space<vmem>>
      %dma_wait3A_164 = arith.constant 0 : i32
      %dma_wait3A_165 = arith.constant 0 : i32
      %dma_wait3A_166 = tpu.memref_slice %arg14[%dma_wait3A_164, %dma_wait3A_165] : memref<10240x64xf32, #tpu.memory_space<vmem_shared>> -> memref<10240x64xf32, #tpu.memory_space<vmem_shared>>
      tpu.wait_indirect_dma semaphore(%arg21 : memref<!tpu.dma_semaphore, #tpu.memory_space<semaphore_mem>>) src(%arg11 : memref<128x64xf32, #tpu.memory_space<vmem>>) dst(%dma_wait3A_166 : memref<10240x64xf32, #tpu.memory_space<vmem_shared>>)
      %mul3A_167 = arith.constant 4 : i32
      %mul3A_168 = arith.muli %scan3A_35, %mul3A_167 : i32
      %add3A_169 = arith.constant 3 : i32
      %add3A_170 = arith.addi %mul3A_168, %add3A_169 : i32
      %dma_wait3A_171 = arith.constant 0 : i32
      %dma_wait3A_172 = tpu.memref_slice %arg8[%add3A_170, %dma_wait3A_171] : memref<40x128xi32, #tpu.memory_space<vmem>> -> memref<1x128xi32, #tpu.memory_space<vmem>>
      %dma_wait3A_173 = tpu.memref_squeeze %dma_wait3A_172 : memref<1x128xi32, #tpu.memory_space<vmem>> -> memref<128xi32, #tpu.memory_space<vmem>>
      %dma_wait3A_174 = arith.constant 0 : i32
      %dma_wait3A_175 = arith.constant 0 : i32
      %dma_wait3A_176 = tpu.memref_slice %arg14[%dma_wait3A_174, %dma_wait3A_175] : memref<10240x64xf32, #tpu.memory_space<vmem_shared>> -> memref<10240x64xf32, #tpu.memory_space<vmem_shared>>
      tpu.wait_indirect_dma semaphore(%arg22 : memref<!tpu.dma_semaphore, #tpu.memory_space<semaphore_mem>>) src(%arg12 : memref<128x64xf32, #tpu.memory_space<vmem>>) dst(%dma_wait3A_176 : memref<10240x64xf32, #tpu.memory_space<vmem_shared>>)
    }
    %scan3A_11 = arith.constant 10 : i32
    "tpu.region"() ({
      %run_scoped3A = tpu.sem_alloc : memref<!tpu.dma_semaphore, #tpu.memory_space<semaphore_mem>>
      %dma_start3A = arith.constant 0 : i32
      %dma_start3A_35 = arith.constant 0 : i32
      %dma_start3A_36 = tpu.memref_slice %arg3[%arg1, %dma_start3A, %dma_start3A_35] : memref<16x160x128xi32, #tpu.memory_space<hbm>> -> memref<1x160x128xi32, #tpu.memory_space<hbm>>
      %dma_start3A_37 = tpu.memref_squeeze %dma_start3A_36 : memref<1x160x128xi32, #tpu.memory_space<hbm>> -> memref<160x128xi32, #tpu.memory_space<hbm>>
      %dma_start3A_38 = arith.constant 40 : i32
      %dma_start3A_39 = arith.constant 0 : i32
      %dma_start3A_40 = tpu.memref_slice %dma_start3A_37[%dma_start3A_38, %dma_start3A_39] : memref<160x128xi32, #tpu.memory_space<hbm>> -> memref<40x128xi32, #tpu.memory_space<hbm>>
      %dma_start3A_41 = arith.constant 0 : i32
      %dma_start3A_42 = arith.constant 0 : i32
      %dma_start3A_43 = tpu.memref_slice %arg3[%arg1, %dma_start3A_41, %dma_start3A_42] : memref<16x160x128xi32, #tpu.memory_space<hbm>> -> memref<1x160x128xi32, #tpu.memory_space<hbm>>
      %dma_start3A_44 = tpu.memref_squeeze %dma_start3A_43 : memref<1x160x128xi32, #tpu.memory_space<hbm>> -> memref<160x128xi32, #tpu.memory_space<hbm>>
      %dma_start3A_45 = arith.constant 40 : i32
      %dma_start3A_46 = arith.constant 0 : i32
      %dma_start3A_47 = tpu.memref_slice %dma_start3A_44[%dma_start3A_45, %dma_start3A_46] : memref<160x128xi32, #tpu.memory_space<hbm>> -> memref<40x128xi32, #tpu.memory_space<hbm>>
      tpu.enqueue_dma source(%dma_start3A_47 : memref<40x128xi32, #tpu.memory_space<hbm>>) target(%arg7 : memref<40x128xi32, #tpu.memory_space<vmem>>) target_semaphore(%run_scoped3A : memref<!tpu.dma_semaphore, #tpu.memory_space<semaphore_mem>>)
      %dma_wait3A = arith.constant 0 : i32
      %dma_wait3A_48 = arith.constant 0 : i32
      %dma_wait3A_49 = tpu.memref_slice %arg3[%arg1, %dma_wait3A, %dma_wait3A_48] : memref<16x160x128xi32, #tpu.memory_space<hbm>> -> memref<1x160x128xi32, #tpu.memory_space<hbm>>
      %dma_wait3A_50 = tpu.memref_squeeze %dma_wait3A_49 : memref<1x160x128xi32, #tpu.memory_space<hbm>> -> memref<160x128xi32, #tpu.memory_space<hbm>>
      %dma_wait3A_51 = arith.constant 40 : i32
      %dma_wait3A_52 = arith.constant 0 : i32
      %dma_wait3A_53 = tpu.memref_slice %dma_wait3A_50[%dma_wait3A_51, %dma_wait3A_52] : memref<160x128xi32, #tpu.memory_space<hbm>> -> memref<40x128xi32, #tpu.memory_space<hbm>>
      %dma_wait3A_54 = arith.constant 0 : i32
      %dma_wait3A_55 = arith.constant 0 : i32
      %dma_wait3A_56 = tpu.memref_slice %arg3[%arg1, %dma_wait3A_54, %dma_wait3A_55] : memref<16x160x128xi32, #tpu.memory_space<hbm>> -> memref<1x160x128xi32, #tpu.memory_space<hbm>>
      %dma_wait3A_57 = tpu.memref_squeeze %dma_wait3A_56 : memref<1x160x128xi32, #tpu.memory_space<hbm>> -> memref<160x128xi32, #tpu.memory_space<hbm>>
      %dma_wait3A_58 = arith.constant 40 : i32
      %dma_wait3A_59 = arith.constant 0 : i32
      %dma_wait3A_60 = tpu.memref_slice %dma_wait3A_57[%dma_wait3A_58, %dma_wait3A_59] : memref<160x128xi32, #tpu.memory_space<hbm>> -> memref<40x128xi32, #tpu.memory_space<hbm>>
      tpu.wait_dma2 semaphore(%run_scoped3A : memref<!tpu.dma_semaphore, #tpu.memory_space<semaphore_mem>>) src(%dma_wait3A_60 : memref<40x128xi32, #tpu.memory_space<hbm>>) dst(%arg7 : memref<40x128xi32, #tpu.memory_space<vmem>>)
      tpu.yield
    }) : () -> ()
    "tpu.region"() ({
      %run_scoped3A = tpu.sem_alloc : memref<!tpu.dma_semaphore, #tpu.memory_space<semaphore_mem>>
      %dma_start3A = arith.constant 0 : i32
      %dma_start3A_35 = arith.constant 0 : i32
      %dma_start3A_36 = tpu.memref_slice %arg4[%arg1, %dma_start3A, %dma_start3A_35] : memref<16x160x128xi32, #tpu.memory_space<hbm>> -> memref<1x160x128xi32, #tpu.memory_space<hbm>>
      %dma_start3A_37 = tpu.memref_squeeze %dma_start3A_36 : memref<1x160x128xi32, #tpu.memory_space<hbm>> -> memref<160x128xi32, #tpu.memory_space<hbm>>
      %dma_start3A_38 = arith.constant 40 : i32
      %dma_start3A_39 = arith.constant 0 : i32
      %dma_start3A_40 = tpu.memref_slice %dma_start3A_37[%dma_start3A_38, %dma_start3A_39] : memref<160x128xi32, #tpu.memory_space<hbm>> -> memref<40x128xi32, #tpu.memory_space<hbm>>
      %dma_start3A_41 = arith.constant 0 : i32
      %dma_start3A_42 = arith.constant 0 : i32
      %dma_start3A_43 = tpu.memref_slice %arg4[%arg1, %dma_start3A_41, %dma_start3A_42] : memref<16x160x128xi32, #tpu.memory_space<hbm>> -> memref<1x160x128xi32, #tpu.memory_space<hbm>>
      %dma_start3A_44 = tpu.memref_squeeze %dma_start3A_43 : memref<1x160x128xi32, #tpu.memory_space<hbm>> -> memref<160x128xi32, #tpu.memory_space<hbm>>
      %dma_start3A_45 = arith.constant 40 : i32
      %dma_start3A_46 = arith.constant 0 : i32
      %dma_start3A_47 = tpu.memref_slice %dma_start3A_44[%dma_start3A_45, %dma_start3A_46] : memref<160x128xi32, #tpu.memory_space<hbm>> -> memref<40x128xi32, #tpu.memory_space<hbm>>
      tpu.enqueue_dma source(%dma_start3A_47 : memref<40x128xi32, #tpu.memory_space<hbm>>) target(%arg8 : memref<40x128xi32, #tpu.memory_space<vmem>>) target_semaphore(%run_scoped3A : memref<!tpu.dma_semaphore, #tpu.memory_space<semaphore_mem>>)
      %dma_wait3A = arith.constant 0 : i32
      %dma_wait3A_48 = arith.constant 0 : i32
      %dma_wait3A_49 = tpu.memref_slice %arg4[%arg1, %dma_wait3A, %dma_wait3A_48] : memref<16x160x128xi32, #tpu.memory_space<hbm>> -> memref<1x160x128xi32, #tpu.memory_space<hbm>>
      %dma_wait3A_50 = tpu.memref_squeeze %dma_wait3A_49 : memref<1x160x128xi32, #tpu.memory_space<hbm>> -> memref<160x128xi32, #tpu.memory_space<hbm>>
      %dma_wait3A_51 = arith.constant 40 : i32
      %dma_wait3A_52 = arith.constant 0 : i32
      %dma_wait3A_53 = tpu.memref_slice %dma_wait3A_50[%dma_wait3A_51, %dma_wait3A_52] : memref<160x128xi32, #tpu.memory_space<hbm>> -> memref<40x128xi32, #tpu.memory_space<hbm>>
      %dma_wait3A_54 = arith.constant 0 : i32
      %dma_wait3A_55 = arith.constant 0 : i32
      %dma_wait3A_56 = tpu.memref_slice %arg4[%arg1, %dma_wait3A_54, %dma_wait3A_55] : memref<16x160x128xi32, #tpu.memory_space<hbm>> -> memref<1x160x128xi32, #tpu.memory_space<hbm>>
      %dma_wait3A_57 = tpu.memref_squeeze %dma_wait3A_56 : memref<1x160x128xi32, #tpu.memory_space<hbm>> -> memref<160x128xi32, #tpu.memory_space<hbm>>
      %dma_wait3A_58 = arith.constant 40 : i32
      %dma_wait3A_59 = arith.constant 0 : i32
      %dma_wait3A_60 = tpu.memref_slice %dma_wait3A_57[%dma_wait3A_58, %dma_wait3A_59] : memref<160x128xi32, #tpu.memory_space<hbm>> -> memref<40x128xi32, #tpu.memory_space<hbm>>
      tpu.wait_dma2 semaphore(%run_scoped3A : memref<!tpu.dma_semaphore, #tpu.memory_space<semaphore_mem>>) src(%dma_wait3A_60 : memref<40x128xi32, #tpu.memory_space<hbm>>) dst(%arg8 : memref<40x128xi32, #tpu.memory_space<vmem>>)
      tpu.yield
    }) : () -> ()
    %scan3A_12 = arith.constant 0 : i32
    %scan3A_13 = arith.constant 0 : i32
    %scan3A_14 = arith.constant 10 : i32
    %scan3A_15 = arith.addi %scan3A_13, %scan3A_14 : i32
    %scan3A_16 = arith.constant 1 : i32
    scf.for %scan3A_35 = %scan3A_13 to %scan3A_15 step %scan3A_16  : i32 {
      %mul3A_36 = arith.constant 4 : i32
      %mul3A_37 = arith.muli %scan3A_35, %mul3A_36 : i32
      %add3A = arith.constant 0 : i32
      %add3A_38 = arith.addi %mul3A_37, %add3A : i32
      %dma_start3A = arith.constant 0 : i32
      %dma_start3A_39 = tpu.memref_slice %arg7[%add3A_38, %dma_start3A] : memref<40x128xi32, #tpu.memory_space<vmem>> -> memref<1x128xi32, #tpu.memory_space<vmem>>
      %dma_start3A_40 = tpu.memref_squeeze %dma_start3A_39 : memref<1x128xi32, #tpu.memory_space<vmem>> -> memref<128xi32, #tpu.memory_space<vmem>>
      %dma_start3A_41 = arith.constant 0 : i32
      %dma_start3A_42 = arith.constant 0 : i32
      %dma_start3A_43 = tpu.memref_slice %arg13[%dma_start3A_41, %dma_start3A_42] : memref<10240x64xf32, #tpu.memory_space<vmem_shared>> -> memref<10240x64xf32, #tpu.memory_space<vmem_shared>>
      tpu.enqueue_indirect_dma source(%dma_start3A_43 : memref<10240x64xf32, #tpu.memory_space<vmem_shared>>) target(%arg9 : memref<128x64xf32, #tpu.memory_space<vmem>>) offsets(%dma_start3A_40 : memref<128xi32, #tpu.memory_space<vmem>>) semaphore(%arg15 : memref<!tpu.dma_semaphore, #tpu.memory_space<semaphore_mem>>)
      %mul3A_44 = arith.constant 4 : i32
      %mul3A_45 = arith.muli %scan3A_35, %mul3A_44 : i32
      %add3A_46 = arith.constant 1 : i32
      %add3A_47 = arith.addi %mul3A_45, %add3A_46 : i32
      %dma_start3A_48 = arith.constant 0 : i32
      %dma_start3A_49 = tpu.memref_slice %arg7[%add3A_47, %dma_start3A_48] : memref<40x128xi32, #tpu.memory_space<vmem>> -> memref<1x128xi32, #tpu.memory_space<vmem>>
      %dma_start3A_50 = tpu.memref_squeeze %dma_start3A_49 : memref<1x128xi32, #tpu.memory_space<vmem>> -> memref<128xi32, #tpu.memory_space<vmem>>
      %dma_start3A_51 = arith.constant 0 : i32
      %dma_start3A_52 = arith.constant 0 : i32
      %dma_start3A_53 = tpu.memref_slice %arg13[%dma_start3A_51, %dma_start3A_52] : memref<10240x64xf32, #tpu.memory_space<vmem_shared>> -> memref<10240x64xf32, #tpu.memory_space<vmem_shared>>
      tpu.enqueue_indirect_dma source(%dma_start3A_53 : memref<10240x64xf32, #tpu.memory_space<vmem_shared>>) target(%arg10 : memref<128x64xf32, #tpu.memory_space<vmem>>) offsets(%dma_start3A_50 : memref<128xi32, #tpu.memory_space<vmem>>) semaphore(%arg16 : memref<!tpu.dma_semaphore, #tpu.memory_space<semaphore_mem>>)
      %mul3A_54 = arith.constant 4 : i32
      %mul3A_55 = arith.muli %scan3A_35, %mul3A_54 : i32
      %add3A_56 = arith.constant 2 : i32
      %add3A_57 = arith.addi %mul3A_55, %add3A_56 : i32
      %dma_start3A_58 = arith.constant 0 : i32
      %dma_start3A_59 = tpu.memref_slice %arg7[%add3A_57, %dma_start3A_58] : memref<40x128xi32, #tpu.memory_space<vmem>> -> memref<1x128xi32, #tpu.memory_space<vmem>>
      %dma_start3A_60 = tpu.memref_squeeze %dma_start3A_59 : memref<1x128xi32, #tpu.memory_space<vmem>> -> memref<128xi32, #tpu.memory_space<vmem>>
      %dma_start3A_61 = arith.constant 0 : i32
      %dma_start3A_62 = arith.constant 0 : i32
      %dma_start3A_63 = tpu.memref_slice %arg13[%dma_start3A_61, %dma_start3A_62] : memref<10240x64xf32, #tpu.memory_space<vmem_shared>> -> memref<10240x64xf32, #tpu.memory_space<vmem_shared>>
      tpu.enqueue_indirect_dma source(%dma_start3A_63 : memref<10240x64xf32, #tpu.memory_space<vmem_shared>>) target(%arg11 : memref<128x64xf32, #tpu.memory_space<vmem>>) offsets(%dma_start3A_60 : memref<128xi32, #tpu.memory_space<vmem>>) semaphore(%arg17 : memref<!tpu.dma_semaphore, #tpu.memory_space<semaphore_mem>>)
      %mul3A_64 = arith.constant 4 : i32
      %mul3A_65 = arith.muli %scan3A_35, %mul3A_64 : i32
      %add3A_66 = arith.constant 3 : i32
      %add3A_67 = arith.addi %mul3A_65, %add3A_66 : i32
      %dma_start3A_68 = arith.constant 0 : i32
      %dma_start3A_69 = tpu.memref_slice %arg7[%add3A_67, %dma_start3A_68] : memref<40x128xi32, #tpu.memory_space<vmem>> -> memref<1x128xi32, #tpu.memory_space<vmem>>
      %dma_start3A_70 = tpu.memref_squeeze %dma_start3A_69 : memref<1x128xi32, #tpu.memory_space<vmem>> -> memref<128xi32, #tpu.memory_space<vmem>>
      %dma_start3A_71 = arith.constant 0 : i32
      %dma_start3A_72 = arith.constant 0 : i32
      %dma_start3A_73 = tpu.memref_slice %arg13[%dma_start3A_71, %dma_start3A_72] : memref<10240x64xf32, #tpu.memory_space<vmem_shared>> -> memref<10240x64xf32, #tpu.memory_space<vmem_shared>>
      tpu.enqueue_indirect_dma source(%dma_start3A_73 : memref<10240x64xf32, #tpu.memory_space<vmem_shared>>) target(%arg12 : memref<128x64xf32, #tpu.memory_space<vmem>>) offsets(%dma_start3A_70 : memref<128xi32, #tpu.memory_space<vmem>>) semaphore(%arg18 : memref<!tpu.dma_semaphore, #tpu.memory_space<semaphore_mem>>)
      %mul3A_74 = arith.constant 4 : i32
      %mul3A_75 = arith.muli %scan3A_35, %mul3A_74 : i32
      %add3A_76 = arith.constant 0 : i32
      %add3A_77 = arith.addi %mul3A_75, %add3A_76 : i32
      %dma_wait3A = arith.constant 0 : i32
      %dma_wait3A_78 = tpu.memref_slice %arg7[%add3A_77, %dma_wait3A] : memref<40x128xi32, #tpu.memory_space<vmem>> -> memref<1x128xi32, #tpu.memory_space<vmem>>
      %dma_wait3A_79 = tpu.memref_squeeze %dma_wait3A_78 : memref<1x128xi32, #tpu.memory_space<vmem>> -> memref<128xi32, #tpu.memory_space<vmem>>
      %dma_wait3A_80 = arith.constant 0 : i32
      %dma_wait3A_81 = arith.constant 0 : i32
      %dma_wait3A_82 = tpu.memref_slice %arg13[%dma_wait3A_80, %dma_wait3A_81] : memref<10240x64xf32, #tpu.memory_space<vmem_shared>> -> memref<10240x64xf32, #tpu.memory_space<vmem_shared>>
      tpu.wait_indirect_dma semaphore(%arg15 : memref<!tpu.dma_semaphore, #tpu.memory_space<semaphore_mem>>) src(%dma_wait3A_82 : memref<10240x64xf32, #tpu.memory_space<vmem_shared>>) dst(%arg9 : memref<128x64xf32, #tpu.memory_space<vmem>>)
      %dma_start3A_83 = arith.constant 0 : i32
      %dma_start3A_84 = tpu.memref_slice %arg8[%add3A_77, %dma_start3A_83] : memref<40x128xi32, #tpu.memory_space<vmem>> -> memref<1x128xi32, #tpu.memory_space<vmem>>
      %dma_start3A_85 = tpu.memref_squeeze %dma_start3A_84 : memref<1x128xi32, #tpu.memory_space<vmem>> -> memref<128xi32, #tpu.memory_space<vmem>>
      %dma_start3A_86 = arith.constant 0 : i32
      %dma_start3A_87 = arith.constant 0 : i32
      %dma_start3A_88 = tpu.memref_slice %arg14[%dma_start3A_86, %dma_start3A_87] : memref<10240x64xf32, #tpu.memory_space<vmem_shared>> -> memref<10240x64xf32, #tpu.memory_space<vmem_shared>>
      tpu.enqueue_indirect_dma source(%arg9 : memref<128x64xf32, #tpu.memory_space<vmem>>) target(%dma_start3A_88 : memref<10240x64xf32, #tpu.memory_space<vmem_shared>>) offsets(%dma_start3A_85 : memref<128xi32, #tpu.memory_space<vmem>>) semaphore(%arg19 : memref<!tpu.dma_semaphore, #tpu.memory_space<semaphore_mem>>) {add = true}
      %mul3A_89 = arith.constant 4 : i32
      %mul3A_90 = arith.muli %scan3A_35, %mul3A_89 : i32
      %add3A_91 = arith.constant 1 : i32
      %add3A_92 = arith.addi %mul3A_90, %add3A_91 : i32
      %dma_wait3A_93 = arith.constant 0 : i32
      %dma_wait3A_94 = tpu.memref_slice %arg7[%add3A_92, %dma_wait3A_93] : memref<40x128xi32, #tpu.memory_space<vmem>> -> memref<1x128xi32, #tpu.memory_space<vmem>>
      %dma_wait3A_95 = tpu.memref_squeeze %dma_wait3A_94 : memref<1x128xi32, #tpu.memory_space<vmem>> -> memref<128xi32, #tpu.memory_space<vmem>>
      %dma_wait3A_96 = arith.constant 0 : i32
      %dma_wait3A_97 = arith.constant 0 : i32
      %dma_wait3A_98 = tpu.memref_slice %arg13[%dma_wait3A_96, %dma_wait3A_97] : memref<10240x64xf32, #tpu.memory_space<vmem_shared>> -> memref<10240x64xf32, #tpu.memory_space<vmem_shared>>
      tpu.wait_indirect_dma semaphore(%arg16 : memref<!tpu.dma_semaphore, #tpu.memory_space<semaphore_mem>>) src(%dma_wait3A_98 : memref<10240x64xf32, #tpu.memory_space<vmem_shared>>) dst(%arg10 : memref<128x64xf32, #tpu.memory_space<vmem>>)
      %dma_start3A_99 = arith.constant 0 : i32
      %dma_start3A_100 = tpu.memref_slice %arg8[%add3A_92, %dma_start3A_99] : memref<40x128xi32, #tpu.memory_space<vmem>> -> memref<1x128xi32, #tpu.memory_space<vmem>>
      %dma_start3A_101 = tpu.memref_squeeze %dma_start3A_100 : memref<1x128xi32, #tpu.memory_space<vmem>> -> memref<128xi32, #tpu.memory_space<vmem>>
      %dma_start3A_102 = arith.constant 0 : i32
      %dma_start3A_103 = arith.constant 0 : i32
      %dma_start3A_104 = tpu.memref_slice %arg14[%dma_start3A_102, %dma_start3A_103] : memref<10240x64xf32, #tpu.memory_space<vmem_shared>> -> memref<10240x64xf32, #tpu.memory_space<vmem_shared>>
      tpu.enqueue_indirect_dma source(%arg10 : memref<128x64xf32, #tpu.memory_space<vmem>>) target(%dma_start3A_104 : memref<10240x64xf32, #tpu.memory_space<vmem_shared>>) offsets(%dma_start3A_101 : memref<128xi32, #tpu.memory_space<vmem>>) semaphore(%arg20 : memref<!tpu.dma_semaphore, #tpu.memory_space<semaphore_mem>>) {add = true}
      %mul3A_105 = arith.constant 4 : i32
      %mul3A_106 = arith.muli %scan3A_35, %mul3A_105 : i32
      %add3A_107 = arith.constant 2 : i32
      %add3A_108 = arith.addi %mul3A_106, %add3A_107 : i32
      %dma_wait3A_109 = arith.constant 0 : i32
      %dma_wait3A_110 = tpu.memref_slice %arg7[%add3A_108, %dma_wait3A_109] : memref<40x128xi32, #tpu.memory_space<vmem>> -> memref<1x128xi32, #tpu.memory_space<vmem>>
      %dma_wait3A_111 = tpu.memref_squeeze %dma_wait3A_110 : memref<1x128xi32, #tpu.memory_space<vmem>> -> memref<128xi32, #tpu.memory_space<vmem>>
      %dma_wait3A_112 = arith.constant 0 : i32
      %dma_wait3A_113 = arith.constant 0 : i32
      %dma_wait3A_114 = tpu.memref_slice %arg13[%dma_wait3A_112, %dma_wait3A_113] : memref<10240x64xf32, #tpu.memory_space<vmem_shared>> -> memref<10240x64xf32, #tpu.memory_space<vmem_shared>>
      tpu.wait_indirect_dma semaphore(%arg17 : memref<!tpu.dma_semaphore, #tpu.memory_space<semaphore_mem>>) src(%dma_wait3A_114 : memref<10240x64xf32, #tpu.memory_space<vmem_shared>>) dst(%arg11 : memref<128x64xf32, #tpu.memory_space<vmem>>)
      %dma_start3A_115 = arith.constant 0 : i32
      %dma_start3A_116 = tpu.memref_slice %arg8[%add3A_108, %dma_start3A_115] : memref<40x128xi32, #tpu.memory_space<vmem>> -> memref<1x128xi32, #tpu.memory_space<vmem>>
      %dma_start3A_117 = tpu.memref_squeeze %dma_start3A_116 : memref<1x128xi32, #tpu.memory_space<vmem>> -> memref<128xi32, #tpu.memory_space<vmem>>
      %dma_start3A_118 = arith.constant 0 : i32
      %dma_start3A_119 = arith.constant 0 : i32
      %dma_start3A_120 = tpu.memref_slice %arg14[%dma_start3A_118, %dma_start3A_119] : memref<10240x64xf32, #tpu.memory_space<vmem_shared>> -> memref<10240x64xf32, #tpu.memory_space<vmem_shared>>
      tpu.enqueue_indirect_dma source(%arg11 : memref<128x64xf32, #tpu.memory_space<vmem>>) target(%dma_start3A_120 : memref<10240x64xf32, #tpu.memory_space<vmem_shared>>) offsets(%dma_start3A_117 : memref<128xi32, #tpu.memory_space<vmem>>) semaphore(%arg21 : memref<!tpu.dma_semaphore, #tpu.memory_space<semaphore_mem>>) {add = true}
      %mul3A_121 = arith.constant 4 : i32
      %mul3A_122 = arith.muli %scan3A_35, %mul3A_121 : i32
      %add3A_123 = arith.constant 3 : i32
      %add3A_124 = arith.addi %mul3A_122, %add3A_123 : i32
      %dma_wait3A_125 = arith.constant 0 : i32
      %dma_wait3A_126 = tpu.memref_slice %arg7[%add3A_124, %dma_wait3A_125] : memref<40x128xi32, #tpu.memory_space<vmem>> -> memref<1x128xi32, #tpu.memory_space<vmem>>
      %dma_wait3A_127 = tpu.memref_squeeze %dma_wait3A_126 : memref<1x128xi32, #tpu.memory_space<vmem>> -> memref<128xi32, #tpu.memory_space<vmem>>
      %dma_wait3A_128 = arith.constant 0 : i32
      %dma_wait3A_129 = arith.constant 0 : i32
      %dma_wait3A_130 = tpu.memref_slice %arg13[%dma_wait3A_128, %dma_wait3A_129] : memref<10240x64xf32, #tpu.memory_space<vmem_shared>> -> memref<10240x64xf32, #tpu.memory_space<vmem_shared>>
      tpu.wait_indirect_dma semaphore(%arg18 : memref<!tpu.dma_semaphore, #tpu.memory_space<semaphore_mem>>) src(%dma_wait3A_130 : memref<10240x64xf32, #tpu.memory_space<vmem_shared>>) dst(%arg12 : memref<128x64xf32, #tpu.memory_space<vmem>>)
      %dma_start3A_131 = arith.constant 0 : i32
      %dma_start3A_132 = tpu.memref_slice %arg8[%add3A_124, %dma_start3A_131] : memref<40x128xi32, #tpu.memory_space<vmem>> -> memref<1x128xi32, #tpu.memory_space<vmem>>
      %dma_start3A_133 = tpu.memref_squeeze %dma_start3A_132 : memref<1x128xi32, #tpu.memory_space<vmem>> -> memref<128xi32, #tpu.memory_space<vmem>>
      %dma_start3A_134 = arith.constant 0 : i32
      %dma_start3A_135 = arith.constant 0 : i32
      %dma_start3A_136 = tpu.memref_slice %arg14[%dma_start3A_134, %dma_start3A_135] : memref<10240x64xf32, #tpu.memory_space<vmem_shared>> -> memref<10240x64xf32, #tpu.memory_space<vmem_shared>>
      tpu.enqueue_indirect_dma source(%arg12 : memref<128x64xf32, #tpu.memory_space<vmem>>) target(%dma_start3A_136 : memref<10240x64xf32, #tpu.memory_space<vmem_shared>>) offsets(%dma_start3A_133 : memref<128xi32, #tpu.memory_space<vmem>>) semaphore(%arg22 : memref<!tpu.dma_semaphore, #tpu.memory_space<semaphore_mem>>) {add = true}
      %mul3A_137 = arith.constant 4 : i32
      %mul3A_138 = arith.muli %scan3A_35, %mul3A_137 : i32
      %add3A_139 = arith.constant 0 : i32
      %add3A_140 = arith.addi %mul3A_138, %add3A_139 : i32
      %dma_wait3A_141 = arith.constant 0 : i32
      %dma_wait3A_142 = tpu.memref_slice %arg8[%add3A_140, %dma_wait3A_141] : memref<40x128xi32, #tpu.memory_space<vmem>> -> memref<1x128xi32, #tpu.memory_space<vmem>>
      %dma_wait3A_143 = tpu.memref_squeeze %dma_wait3A_142 : memref<1x128xi32, #tpu.memory_space<vmem>> -> memref<128xi32, #tpu.memory_space<vmem>>
      %dma_wait3A_144 = arith.constant 0 : i32
      %dma_wait3A_145 = arith.constant 0 : i32
      %dma_wait3A_146 = tpu.memref_slice %arg14[%dma_wait3A_144, %dma_wait3A_145] : memref<10240x64xf32, #tpu.memory_space<vmem_shared>> -> memref<10240x64xf32, #tpu.memory_space<vmem_shared>>
      tpu.wait_indirect_dma semaphore(%arg19 : memref<!tpu.dma_semaphore, #tpu.memory_space<semaphore_mem>>) src(%arg9 : memref<128x64xf32, #tpu.memory_space<vmem>>) dst(%dma_wait3A_146 : memref<10240x64xf32, #tpu.memory_space<vmem_shared>>)
      %mul3A_147 = arith.constant 4 : i32
      %mul3A_148 = arith.muli %scan3A_35, %mul3A_147 : i32
      %add3A_149 = arith.constant 1 : i32
      %add3A_150 = arith.addi %mul3A_148, %add3A_149 : i32
      %dma_wait3A_151 = arith.constant 0 : i32
      %dma_wait3A_152 = tpu.memref_slice %arg8[%add3A_150, %dma_wait3A_151] : memref<40x128xi32, #tpu.memory_space<vmem>> -> memref<1x128xi32, #tpu.memory_space<vmem>>
      %dma_wait3A_153 = tpu.memref_squeeze %dma_wait3A_152 : memref<1x128xi32, #tpu.memory_space<vmem>> -> memref<128xi32, #tpu.memory_space<vmem>>
      %dma_wait3A_154 = arith.constant 0 : i32
      %dma_wait3A_155 = arith.constant 0 : i32
      %dma_wait3A_156 = tpu.memref_slice %arg14[%dma_wait3A_154, %dma_wait3A_155] : memref<10240x64xf32, #tpu.memory_space<vmem_shared>> -> memref<10240x64xf32, #tpu.memory_space<vmem_shared>>
      tpu.wait_indirect_dma semaphore(%arg20 : memref<!tpu.dma_semaphore, #tpu.memory_space<semaphore_mem>>) src(%arg10 : memref<128x64xf32, #tpu.memory_space<vmem>>) dst(%dma_wait3A_156 : memref<10240x64xf32, #tpu.memory_space<vmem_shared>>)
      %mul3A_157 = arith.constant 4 : i32
      %mul3A_158 = arith.muli %scan3A_35, %mul3A_157 : i32
      %add3A_159 = arith.constant 2 : i32
      %add3A_160 = arith.addi %mul3A_158, %add3A_159 : i32
      %dma_wait3A_161 = arith.constant 0 : i32
      %dma_wait3A_162 = tpu.memref_slice %arg8[%add3A_160, %dma_wait3A_161] : memref<40x128xi32, #tpu.memory_space<vmem>> -> memref<1x128xi32, #tpu.memory_space<vmem>>
      %dma_wait3A_163 = tpu.memref_squeeze %dma_wait3A_162 : memref<1x128xi32, #tpu.memory_space<vmem>> -> memref<128xi32, #tpu.memory_space<vmem>>
      %dma_wait3A_164 = arith.constant 0 : i32
      %dma_wait3A_165 = arith.constant 0 : i32
      %dma_wait3A_166 = tpu.memref_slice %arg14[%dma_wait3A_164, %dma_wait3A_165] : memref<10240x64xf32, #tpu.memory_space<vmem_shared>> -> memref<10240x64xf32, #tpu.memory_space<vmem_shared>>
      tpu.wait_indirect_dma semaphore(%arg21 : memref<!tpu.dma_semaphore, #tpu.memory_space<semaphore_mem>>) src(%arg11 : memref<128x64xf32, #tpu.memory_space<vmem>>) dst(%dma_wait3A_166 : memref<10240x64xf32, #tpu.memory_space<vmem_shared>>)
      %mul3A_167 = arith.constant 4 : i32
      %mul3A_168 = arith.muli %scan3A_35, %mul3A_167 : i32
      %add3A_169 = arith.constant 3 : i32
      %add3A_170 = arith.addi %mul3A_168, %add3A_169 : i32
      %dma_wait3A_171 = arith.constant 0 : i32
      %dma_wait3A_172 = tpu.memref_slice %arg8[%add3A_170, %dma_wait3A_171] : memref<40x128xi32, #tpu.memory_space<vmem>> -> memref<1x128xi32, #tpu.memory_space<vmem>>
      %dma_wait3A_173 = tpu.memref_squeeze %dma_wait3A_172 : memref<1x128xi32, #tpu.memory_space<vmem>> -> memref<128xi32, #tpu.memory_space<vmem>>
      %dma_wait3A_174 = arith.constant 0 : i32
      %dma_wait3A_175 = arith.constant 0 : i32
      %dma_wait3A_176 = tpu.memref_slice %arg14[%dma_wait3A_174, %dma_wait3A_175] : memref<10240x64xf32, #tpu.memory_space<vmem_shared>> -> memref<10240x64xf32, #tpu.memory_space<vmem_shared>>
      tpu.wait_indirect_dma semaphore(%arg22 : memref<!tpu.dma_semaphore, #tpu.memory_space<semaphore_mem>>) src(%arg12 : memref<128x64xf32, #tpu.memory_space<vmem>>) dst(%dma_wait3A_176 : memref<10240x64xf32, #tpu.memory_space<vmem_shared>>)
    }
    %scan3A_17 = arith.constant 10 : i32
    "tpu.region"() ({
      %run_scoped3A = tpu.sem_alloc : memref<!tpu.dma_semaphore, #tpu.memory_space<semaphore_mem>>
      %dma_start3A = arith.constant 0 : i32
      %dma_start3A_35 = arith.constant 0 : i32
      %dma_start3A_36 = tpu.memref_slice %arg3[%arg1, %dma_start3A, %dma_start3A_35] : memref<16x160x128xi32, #tpu.memory_space<hbm>> -> memref<1x160x128xi32, #tpu.memory_space<hbm>>
      %dma_start3A_37 = tpu.memref_squeeze %dma_start3A_36 : memref<1x160x128xi32, #tpu.memory_space<hbm>> -> memref<160x128xi32, #tpu.memory_space<hbm>>
      %dma_start3A_38 = arith.constant 80 : i32
      %dma_start3A_39 = arith.constant 0 : i32
      %dma_start3A_40 = tpu.memref_slice %dma_start3A_37[%dma_start3A_38, %dma_start3A_39] : memref<160x128xi32, #tpu.memory_space<hbm>> -> memref<40x128xi32, #tpu.memory_space<hbm>>
      %dma_start3A_41 = arith.constant 0 : i32
      %dma_start3A_42 = arith.constant 0 : i32
      %dma_start3A_43 = tpu.memref_slice %arg3[%arg1, %dma_start3A_41, %dma_start3A_42] : memref<16x160x128xi32, #tpu.memory_space<hbm>> -> memref<1x160x128xi32, #tpu.memory_space<hbm>>
      %dma_start3A_44 = tpu.memref_squeeze %dma_start3A_43 : memref<1x160x128xi32, #tpu.memory_space<hbm>> -> memref<160x128xi32, #tpu.memory_space<hbm>>
      %dma_start3A_45 = arith.constant 80 : i32
      %dma_start3A_46 = arith.constant 0 : i32
      %dma_start3A_47 = tpu.memref_slice %dma_start3A_44[%dma_start3A_45, %dma_start3A_46] : memref<160x128xi32, #tpu.memory_space<hbm>> -> memref<40x128xi32, #tpu.memory_space<hbm>>
      tpu.enqueue_dma source(%dma_start3A_47 : memref<40x128xi32, #tpu.memory_space<hbm>>) target(%arg7 : memref<40x128xi32, #tpu.memory_space<vmem>>) target_semaphore(%run_scoped3A : memref<!tpu.dma_semaphore, #tpu.memory_space<semaphore_mem>>)
      %dma_wait3A = arith.constant 0 : i32
      %dma_wait3A_48 = arith.constant 0 : i32
      %dma_wait3A_49 = tpu.memref_slice %arg3[%arg1, %dma_wait3A, %dma_wait3A_48] : memref<16x160x128xi32, #tpu.memory_space<hbm>> -> memref<1x160x128xi32, #tpu.memory_space<hbm>>
      %dma_wait3A_50 = tpu.memref_squeeze %dma_wait3A_49 : memref<1x160x128xi32, #tpu.memory_space<hbm>> -> memref<160x128xi32, #tpu.memory_space<hbm>>
      %dma_wait3A_51 = arith.constant 80 : i32
      %dma_wait3A_52 = arith.constant 0 : i32
      %dma_wait3A_53 = tpu.memref_slice %dma_wait3A_50[%dma_wait3A_51, %dma_wait3A_52] : memref<160x128xi32, #tpu.memory_space<hbm>> -> memref<40x128xi32, #tpu.memory_space<hbm>>
      %dma_wait3A_54 = arith.constant 0 : i32
      %dma_wait3A_55 = arith.constant 0 : i32
      %dma_wait3A_56 = tpu.memref_slice %arg3[%arg1, %dma_wait3A_54, %dma_wait3A_55] : memref<16x160x128xi32, #tpu.memory_space<hbm>> -> memref<1x160x128xi32, #tpu.memory_space<hbm>>
      %dma_wait3A_57 = tpu.memref_squeeze %dma_wait3A_56 : memref<1x160x128xi32, #tpu.memory_space<hbm>> -> memref<160x128xi32, #tpu.memory_space<hbm>>
      %dma_wait3A_58 = arith.constant 80 : i32
      %dma_wait3A_59 = arith.constant 0 : i32
      %dma_wait3A_60 = tpu.memref_slice %dma_wait3A_57[%dma_wait3A_58, %dma_wait3A_59] : memref<160x128xi32, #tpu.memory_space<hbm>> -> memref<40x128xi32, #tpu.memory_space<hbm>>
      tpu.wait_dma2 semaphore(%run_scoped3A : memref<!tpu.dma_semaphore, #tpu.memory_space<semaphore_mem>>) src(%dma_wait3A_60 : memref<40x128xi32, #tpu.memory_space<hbm>>) dst(%arg7 : memref<40x128xi32, #tpu.memory_space<vmem>>)
      tpu.yield
    }) : () -> ()
    "tpu.region"() ({
      %run_scoped3A = tpu.sem_alloc : memref<!tpu.dma_semaphore, #tpu.memory_space<semaphore_mem>>
      %dma_start3A = arith.constant 0 : i32
      %dma_start3A_35 = arith.constant 0 : i32
      %dma_start3A_36 = tpu.memref_slice %arg4[%arg1, %dma_start3A, %dma_start3A_35] : memref<16x160x128xi32, #tpu.memory_space<hbm>> -> memref<1x160x128xi32, #tpu.memory_space<hbm>>
      %dma_start3A_37 = tpu.memref_squeeze %dma_start3A_36 : memref<1x160x128xi32, #tpu.memory_space<hbm>> -> memref<160x128xi32, #tpu.memory_space<hbm>>
      %dma_start3A_38 = arith.constant 80 : i32
      %dma_start3A_39 = arith.constant 0 : i32
      %dma_start3A_40 = tpu.memref_slice %dma_start3A_37[%dma_start3A_38, %dma_start3A_39] : memref<160x128xi32, #tpu.memory_space<hbm>> -> memref<40x128xi32, #tpu.memory_space<hbm>>
      %dma_start3A_41 = arith.constant 0 : i32
      %dma_start3A_42 = arith.constant 0 : i32
      %dma_start3A_43 = tpu.memref_slice %arg4[%arg1, %dma_start3A_41, %dma_start3A_42] : memref<16x160x128xi32, #tpu.memory_space<hbm>> -> memref<1x160x128xi32, #tpu.memory_space<hbm>>
      %dma_start3A_44 = tpu.memref_squeeze %dma_start3A_43 : memref<1x160x128xi32, #tpu.memory_space<hbm>> -> memref<160x128xi32, #tpu.memory_space<hbm>>
      %dma_start3A_45 = arith.constant 80 : i32
      %dma_start3A_46 = arith.constant 0 : i32
      %dma_start3A_47 = tpu.memref_slice %dma_start3A_44[%dma_start3A_45, %dma_start3A_46] : memref<160x128xi32, #tpu.memory_space<hbm>> -> memref<40x128xi32, #tpu.memory_space<hbm>>
      tpu.enqueue_dma source(%dma_start3A_47 : memref<40x128xi32, #tpu.memory_space<hbm>>) target(%arg8 : memref<40x128xi32, #tpu.memory_space<vmem>>) target_semaphore(%run_scoped3A : memref<!tpu.dma_semaphore, #tpu.memory_space<semaphore_mem>>)
      %dma_wait3A = arith.constant 0 : i32
      %dma_wait3A_48 = arith.constant 0 : i32
      %dma_wait3A_49 = tpu.memref_slice %arg4[%arg1, %dma_wait3A, %dma_wait3A_48] : memref<16x160x128xi32, #tpu.memory_space<hbm>> -> memref<1x160x128xi32, #tpu.memory_space<hbm>>
      %dma_wait3A_50 = tpu.memref_squeeze %dma_wait3A_49 : memref<1x160x128xi32, #tpu.memory_space<hbm>> -> memref<160x128xi32, #tpu.memory_space<hbm>>
      %dma_wait3A_51 = arith.constant 80 : i32
      %dma_wait3A_52 = arith.constant 0 : i32
      %dma_wait3A_53 = tpu.memref_slice %dma_wait3A_50[%dma_wait3A_51, %dma_wait3A_52] : memref<160x128xi32, #tpu.memory_space<hbm>> -> memref<40x128xi32, #tpu.memory_space<hbm>>
      %dma_wait3A_54 = arith.constant 0 : i32
      %dma_wait3A_55 = arith.constant 0 : i32
      %dma_wait3A_56 = tpu.memref_slice %arg4[%arg1, %dma_wait3A_54, %dma_wait3A_55] : memref<16x160x128xi32, #tpu.memory_space<hbm>> -> memref<1x160x128xi32, #tpu.memory_space<hbm>>
      %dma_wait3A_57 = tpu.memref_squeeze %dma_wait3A_56 : memref<1x160x128xi32, #tpu.memory_space<hbm>> -> memref<160x128xi32, #tpu.memory_space<hbm>>
      %dma_wait3A_58 = arith.constant 80 : i32
      %dma_wait3A_59 = arith.constant 0 : i32
      %dma_wait3A_60 = tpu.memref_slice %dma_wait3A_57[%dma_wait3A_58, %dma_wait3A_59] : memref<160x128xi32, #tpu.memory_space<hbm>> -> memref<40x128xi32, #tpu.memory_space<hbm>>
      tpu.wait_dma2 semaphore(%run_scoped3A : memref<!tpu.dma_semaphore, #tpu.memory_space<semaphore_mem>>) src(%dma_wait3A_60 : memref<40x128xi32, #tpu.memory_space<hbm>>) dst(%arg8 : memref<40x128xi32, #tpu.memory_space<vmem>>)
      tpu.yield
    }) : () -> ()
    %scan3A_18 = arith.constant 0 : i32
    %scan3A_19 = arith.constant 0 : i32
    %scan3A_20 = arith.constant 10 : i32
    %scan3A_21 = arith.addi %scan3A_19, %scan3A_20 : i32
    %scan3A_22 = arith.constant 1 : i32
    scf.for %scan3A_35 = %scan3A_19 to %scan3A_21 step %scan3A_22  : i32 {
      %mul3A_36 = arith.constant 4 : i32
      %mul3A_37 = arith.muli %scan3A_35, %mul3A_36 : i32
      %add3A = arith.constant 0 : i32
      %add3A_38 = arith.addi %mul3A_37, %add3A : i32
      %dma_start3A = arith.constant 0 : i32
      %dma_start3A_39 = tpu.memref_slice %arg7[%add3A_38, %dma_start3A] : memref<40x128xi32, #tpu.memory_space<vmem>> -> memref<1x128xi32, #tpu.memory_space<vmem>>
      %dma_start3A_40 = tpu.memref_squeeze %dma_start3A_39 : memref<1x128xi32, #tpu.memory_space<vmem>> -> memref<128xi32, #tpu.memory_space<vmem>>
      %dma_start3A_41 = arith.constant 0 : i32
      %dma_start3A_42 = arith.constant 0 : i32
      %dma_start3A_43 = tpu.memref_slice %arg13[%dma_start3A_41, %dma_start3A_42] : memref<10240x64xf32, #tpu.memory_space<vmem_shared>> -> memref<10240x64xf32, #tpu.memory_space<vmem_shared>>
      tpu.enqueue_indirect_dma source(%dma_start3A_43 : memref<10240x64xf32, #tpu.memory_space<vmem_shared>>) target(%arg9 : memref<128x64xf32, #tpu.memory_space<vmem>>) offsets(%dma_start3A_40 : memref<128xi32, #tpu.memory_space<vmem>>) semaphore(%arg15 : memref<!tpu.dma_semaphore, #tpu.memory_space<semaphore_mem>>)
      %mul3A_44 = arith.constant 4 : i32
      %mul3A_45 = arith.muli %scan3A_35, %mul3A_44 : i32
      %add3A_46 = arith.constant 1 : i32
      %add3A_47 = arith.addi %mul3A_45, %add3A_46 : i32
      %dma_start3A_48 = arith.constant 0 : i32
      %dma_start3A_49 = tpu.memref_slice %arg7[%add3A_47, %dma_start3A_48] : memref<40x128xi32, #tpu.memory_space<vmem>> -> memref<1x128xi32, #tpu.memory_space<vmem>>
      %dma_start3A_50 = tpu.memref_squeeze %dma_start3A_49 : memref<1x128xi32, #tpu.memory_space<vmem>> -> memref<128xi32, #tpu.memory_space<vmem>>
      %dma_start3A_51 = arith.constant 0 : i32
      %dma_start3A_52 = arith.constant 0 : i32
      %dma_start3A_53 = tpu.memref_slice %arg13[%dma_start3A_51, %dma_start3A_52] : memref<10240x64xf32, #tpu.memory_space<vmem_shared>> -> memref<10240x64xf32, #tpu.memory_space<vmem_shared>>
      tpu.enqueue_indirect_dma source(%dma_start3A_53 : memref<10240x64xf32, #tpu.memory_space<vmem_shared>>) target(%arg10 : memref<128x64xf32, #tpu.memory_space<vmem>>) offsets(%dma_start3A_50 : memref<128xi32, #tpu.memory_space<vmem>>) semaphore(%arg16 : memref<!tpu.dma_semaphore, #tpu.memory_space<semaphore_mem>>)
      %mul3A_54 = arith.constant 4 : i32
      %mul3A_55 = arith.muli %scan3A_35, %mul3A_54 : i32
      %add3A_56 = arith.constant 2 : i32
      %add3A_57 = arith.addi %mul3A_55, %add3A_56 : i32
      %dma_start3A_58 = arith.constant 0 : i32
      %dma_start3A_59 = tpu.memref_slice %arg7[%add3A_57, %dma_start3A_58] : memref<40x128xi32, #tpu.memory_space<vmem>> -> memref<1x128xi32, #tpu.memory_space<vmem>>
      %dma_start3A_60 = tpu.memref_squeeze %dma_start3A_59 : memref<1x128xi32, #tpu.memory_space<vmem>> -> memref<128xi32, #tpu.memory_space<vmem>>
      %dma_start3A_61 = arith.constant 0 : i32
      %dma_start3A_62 = arith.constant 0 : i32
      %dma_start3A_63 = tpu.memref_slice %arg13[%dma_start3A_61, %dma_start3A_62] : memref<10240x64xf32, #tpu.memory_space<vmem_shared>> -> memref<10240x64xf32, #tpu.memory_space<vmem_shared>>
      tpu.enqueue_indirect_dma source(%dma_start3A_63 : memref<10240x64xf32, #tpu.memory_space<vmem_shared>>) target(%arg11 : memref<128x64xf32, #tpu.memory_space<vmem>>) offsets(%dma_start3A_60 : memref<128xi32, #tpu.memory_space<vmem>>) semaphore(%arg17 : memref<!tpu.dma_semaphore, #tpu.memory_space<semaphore_mem>>)
      %mul3A_64 = arith.constant 4 : i32
      %mul3A_65 = arith.muli %scan3A_35, %mul3A_64 : i32
      %add3A_66 = arith.constant 3 : i32
      %add3A_67 = arith.addi %mul3A_65, %add3A_66 : i32
      %dma_start3A_68 = arith.constant 0 : i32
      %dma_start3A_69 = tpu.memref_slice %arg7[%add3A_67, %dma_start3A_68] : memref<40x128xi32, #tpu.memory_space<vmem>> -> memref<1x128xi32, #tpu.memory_space<vmem>>
      %dma_start3A_70 = tpu.memref_squeeze %dma_start3A_69 : memref<1x128xi32, #tpu.memory_space<vmem>> -> memref<128xi32, #tpu.memory_space<vmem>>
      %dma_start3A_71 = arith.constant 0 : i32
      %dma_start3A_72 = arith.constant 0 : i32
      %dma_start3A_73 = tpu.memref_slice %arg13[%dma_start3A_71, %dma_start3A_72] : memref<10240x64xf32, #tpu.memory_space<vmem_shared>> -> memref<10240x64xf32, #tpu.memory_space<vmem_shared>>
      tpu.enqueue_indirect_dma source(%dma_start3A_73 : memref<10240x64xf32, #tpu.memory_space<vmem_shared>>) target(%arg12 : memref<128x64xf32, #tpu.memory_space<vmem>>) offsets(%dma_start3A_70 : memref<128xi32, #tpu.memory_space<vmem>>) semaphore(%arg18 : memref<!tpu.dma_semaphore, #tpu.memory_space<semaphore_mem>>)
      %mul3A_74 = arith.constant 4 : i32
      %mul3A_75 = arith.muli %scan3A_35, %mul3A_74 : i32
      %add3A_76 = arith.constant 0 : i32
      %add3A_77 = arith.addi %mul3A_75, %add3A_76 : i32
      %dma_wait3A = arith.constant 0 : i32
      %dma_wait3A_78 = tpu.memref_slice %arg7[%add3A_77, %dma_wait3A] : memref<40x128xi32, #tpu.memory_space<vmem>> -> memref<1x128xi32, #tpu.memory_space<vmem>>
      %dma_wait3A_79 = tpu.memref_squeeze %dma_wait3A_78 : memref<1x128xi32, #tpu.memory_space<vmem>> -> memref<128xi32, #tpu.memory_space<vmem>>
      %dma_wait3A_80 = arith.constant 0 : i32
      %dma_wait3A_81 = arith.constant 0 : i32
      %dma_wait3A_82 = tpu.memref_slice %arg13[%dma_wait3A_80, %dma_wait3A_81] : memref<10240x64xf32, #tpu.memory_space<vmem_shared>> -> memref<10240x64xf32, #tpu.memory_space<vmem_shared>>
      tpu.wait_indirect_dma semaphore(%arg15 : memref<!tpu.dma_semaphore, #tpu.memory_space<semaphore_mem>>) src(%dma_wait3A_82 : memref<10240x64xf32, #tpu.memory_space<vmem_shared>>) dst(%arg9 : memref<128x64xf32, #tpu.memory_space<vmem>>)
      %dma_start3A_83 = arith.constant 0 : i32
      %dma_start3A_84 = tpu.memref_slice %arg8[%add3A_77, %dma_start3A_83] : memref<40x128xi32, #tpu.memory_space<vmem>> -> memref<1x128xi32, #tpu.memory_space<vmem>>
      %dma_start3A_85 = tpu.memref_squeeze %dma_start3A_84 : memref<1x128xi32, #tpu.memory_space<vmem>> -> memref<128xi32, #tpu.memory_space<vmem>>
      %dma_start3A_86 = arith.constant 0 : i32
      %dma_start3A_87 = arith.constant 0 : i32
      %dma_start3A_88 = tpu.memref_slice %arg14[%dma_start3A_86, %dma_start3A_87] : memref<10240x64xf32, #tpu.memory_space<vmem_shared>> -> memref<10240x64xf32, #tpu.memory_space<vmem_shared>>
      tpu.enqueue_indirect_dma source(%arg9 : memref<128x64xf32, #tpu.memory_space<vmem>>) target(%dma_start3A_88 : memref<10240x64xf32, #tpu.memory_space<vmem_shared>>) offsets(%dma_start3A_85 : memref<128xi32, #tpu.memory_space<vmem>>) semaphore(%arg19 : memref<!tpu.dma_semaphore, #tpu.memory_space<semaphore_mem>>) {add = true}
      %mul3A_89 = arith.constant 4 : i32
      %mul3A_90 = arith.muli %scan3A_35, %mul3A_89 : i32
      %add3A_91 = arith.constant 1 : i32
      %add3A_92 = arith.addi %mul3A_90, %add3A_91 : i32
      %dma_wait3A_93 = arith.constant 0 : i32
      %dma_wait3A_94 = tpu.memref_slice %arg7[%add3A_92, %dma_wait3A_93] : memref<40x128xi32, #tpu.memory_space<vmem>> -> memref<1x128xi32, #tpu.memory_space<vmem>>
      %dma_wait3A_95 = tpu.memref_squeeze %dma_wait3A_94 : memref<1x128xi32, #tpu.memory_space<vmem>> -> memref<128xi32, #tpu.memory_space<vmem>>
      %dma_wait3A_96 = arith.constant 0 : i32
      %dma_wait3A_97 = arith.constant 0 : i32
      %dma_wait3A_98 = tpu.memref_slice %arg13[%dma_wait3A_96, %dma_wait3A_97] : memref<10240x64xf32, #tpu.memory_space<vmem_shared>> -> memref<10240x64xf32, #tpu.memory_space<vmem_shared>>
      tpu.wait_indirect_dma semaphore(%arg16 : memref<!tpu.dma_semaphore, #tpu.memory_space<semaphore_mem>>) src(%dma_wait3A_98 : memref<10240x64xf32, #tpu.memory_space<vmem_shared>>) dst(%arg10 : memref<128x64xf32, #tpu.memory_space<vmem>>)
      %dma_start3A_99 = arith.constant 0 : i32
      %dma_start3A_100 = tpu.memref_slice %arg8[%add3A_92, %dma_start3A_99] : memref<40x128xi32, #tpu.memory_space<vmem>> -> memref<1x128xi32, #tpu.memory_space<vmem>>
      %dma_start3A_101 = tpu.memref_squeeze %dma_start3A_100 : memref<1x128xi32, #tpu.memory_space<vmem>> -> memref<128xi32, #tpu.memory_space<vmem>>
      %dma_start3A_102 = arith.constant 0 : i32
      %dma_start3A_103 = arith.constant 0 : i32
      %dma_start3A_104 = tpu.memref_slice %arg14[%dma_start3A_102, %dma_start3A_103] : memref<10240x64xf32, #tpu.memory_space<vmem_shared>> -> memref<10240x64xf32, #tpu.memory_space<vmem_shared>>
      tpu.enqueue_indirect_dma source(%arg10 : memref<128x64xf32, #tpu.memory_space<vmem>>) target(%dma_start3A_104 : memref<10240x64xf32, #tpu.memory_space<vmem_shared>>) offsets(%dma_start3A_101 : memref<128xi32, #tpu.memory_space<vmem>>) semaphore(%arg20 : memref<!tpu.dma_semaphore, #tpu.memory_space<semaphore_mem>>) {add = true}
      %mul3A_105 = arith.constant 4 : i32
      %mul3A_106 = arith.muli %scan3A_35, %mul3A_105 : i32
      %add3A_107 = arith.constant 2 : i32
      %add3A_108 = arith.addi %mul3A_106, %add3A_107 : i32
      %dma_wait3A_109 = arith.constant 0 : i32
      %dma_wait3A_110 = tpu.memref_slice %arg7[%add3A_108, %dma_wait3A_109] : memref<40x128xi32, #tpu.memory_space<vmem>> -> memref<1x128xi32, #tpu.memory_space<vmem>>
      %dma_wait3A_111 = tpu.memref_squeeze %dma_wait3A_110 : memref<1x128xi32, #tpu.memory_space<vmem>> -> memref<128xi32, #tpu.memory_space<vmem>>
      %dma_wait3A_112 = arith.constant 0 : i32
      %dma_wait3A_113 = arith.constant 0 : i32
      %dma_wait3A_114 = tpu.memref_slice %arg13[%dma_wait3A_112, %dma_wait3A_113] : memref<10240x64xf32, #tpu.memory_space<vmem_shared>> -> memref<10240x64xf32, #tpu.memory_space<vmem_shared>>
      tpu.wait_indirect_dma semaphore(%arg17 : memref<!tpu.dma_semaphore, #tpu.memory_space<semaphore_mem>>) src(%dma_wait3A_114 : memref<10240x64xf32, #tpu.memory_space<vmem_shared>>) dst(%arg11 : memref<128x64xf32, #tpu.memory_space<vmem>>)
      %dma_start3A_115 = arith.constant 0 : i32
      %dma_start3A_116 = tpu.memref_slice %arg8[%add3A_108, %dma_start3A_115] : memref<40x128xi32, #tpu.memory_space<vmem>> -> memref<1x128xi32, #tpu.memory_space<vmem>>
      %dma_start3A_117 = tpu.memref_squeeze %dma_start3A_116 : memref<1x128xi32, #tpu.memory_space<vmem>> -> memref<128xi32, #tpu.memory_space<vmem>>
      %dma_start3A_118 = arith.constant 0 : i32
      %dma_start3A_119 = arith.constant 0 : i32
      %dma_start3A_120 = tpu.memref_slice %arg14[%dma_start3A_118, %dma_start3A_119] : memref<10240x64xf32, #tpu.memory_space<vmem_shared>> -> memref<10240x64xf32, #tpu.memory_space<vmem_shared>>
      tpu.enqueue_indirect_dma source(%arg11 : memref<128x64xf32, #tpu.memory_space<vmem>>) target(%dma_start3A_120 : memref<10240x64xf32, #tpu.memory_space<vmem_shared>>) offsets(%dma_start3A_117 : memref<128xi32, #tpu.memory_space<vmem>>) semaphore(%arg21 : memref<!tpu.dma_semaphore, #tpu.memory_space<semaphore_mem>>) {add = true}
      %mul3A_121 = arith.constant 4 : i32
      %mul3A_122 = arith.muli %scan3A_35, %mul3A_121 : i32
      %add3A_123 = arith.constant 3 : i32
      %add3A_124 = arith.addi %mul3A_122, %add3A_123 : i32
      %dma_wait3A_125 = arith.constant 0 : i32
      %dma_wait3A_126 = tpu.memref_slice %arg7[%add3A_124, %dma_wait3A_125] : memref<40x128xi32, #tpu.memory_space<vmem>> -> memref<1x128xi32, #tpu.memory_space<vmem>>
      %dma_wait3A_127 = tpu.memref_squeeze %dma_wait3A_126 : memref<1x128xi32, #tpu.memory_space<vmem>> -> memref<128xi32, #tpu.memory_space<vmem>>
      %dma_wait3A_128 = arith.constant 0 : i32
      %dma_wait3A_129 = arith.constant 0 : i32
      %dma_wait3A_130 = tpu.memref_slice %arg13[%dma_wait3A_128, %dma_wait3A_129] : memref<10240x64xf32, #tpu.memory_space<vmem_shared>> -> memref<10240x64xf32, #tpu.memory_space<vmem_shared>>
      tpu.wait_indirect_dma semaphore(%arg18 : memref<!tpu.dma_semaphore, #tpu.memory_space<semaphore_mem>>) src(%dma_wait3A_130 : memref<10240x64xf32, #tpu.memory_space<vmem_shared>>) dst(%arg12 : memref<128x64xf32, #tpu.memory_space<vmem>>)
      %dma_start3A_131 = arith.constant 0 : i32
      %dma_start3A_132 = tpu.memref_slice %arg8[%add3A_124, %dma_start3A_131] : memref<40x128xi32, #tpu.memory_space<vmem>> -> memref<1x128xi32, #tpu.memory_space<vmem>>
      %dma_start3A_133 = tpu.memref_squeeze %dma_start3A_132 : memref<1x128xi32, #tpu.memory_space<vmem>> -> memref<128xi32, #tpu.memory_space<vmem>>
      %dma_start3A_134 = arith.constant 0 : i32
      %dma_start3A_135 = arith.constant 0 : i32
      %dma_start3A_136 = tpu.memref_slice %arg14[%dma_start3A_134, %dma_start3A_135] : memref<10240x64xf32, #tpu.memory_space<vmem_shared>> -> memref<10240x64xf32, #tpu.memory_space<vmem_shared>>
      tpu.enqueue_indirect_dma source(%arg12 : memref<128x64xf32, #tpu.memory_space<vmem>>) target(%dma_start3A_136 : memref<10240x64xf32, #tpu.memory_space<vmem_shared>>) offsets(%dma_start3A_133 : memref<128xi32, #tpu.memory_space<vmem>>) semaphore(%arg22 : memref<!tpu.dma_semaphore, #tpu.memory_space<semaphore_mem>>) {add = true}
      %mul3A_137 = arith.constant 4 : i32
      %mul3A_138 = arith.muli %scan3A_35, %mul3A_137 : i32
      %add3A_139 = arith.constant 0 : i32
      %add3A_140 = arith.addi %mul3A_138, %add3A_139 : i32
      %dma_wait3A_141 = arith.constant 0 : i32
      %dma_wait3A_142 = tpu.memref_slice %arg8[%add3A_140, %dma_wait3A_141] : memref<40x128xi32, #tpu.memory_space<vmem>> -> memref<1x128xi32, #tpu.memory_space<vmem>>
      %dma_wait3A_143 = tpu.memref_squeeze %dma_wait3A_142 : memref<1x128xi32, #tpu.memory_space<vmem>> -> memref<128xi32, #tpu.memory_space<vmem>>
      %dma_wait3A_144 = arith.constant 0 : i32
      %dma_wait3A_145 = arith.constant 0 : i32
      %dma_wait3A_146 = tpu.memref_slice %arg14[%dma_wait3A_144, %dma_wait3A_145] : memref<10240x64xf32, #tpu.memory_space<vmem_shared>> -> memref<10240x64xf32, #tpu.memory_space<vmem_shared>>
      tpu.wait_indirect_dma semaphore(%arg19 : memref<!tpu.dma_semaphore, #tpu.memory_space<semaphore_mem>>) src(%arg9 : memref<128x64xf32, #tpu.memory_space<vmem>>) dst(%dma_wait3A_146 : memref<10240x64xf32, #tpu.memory_space<vmem_shared>>)
      %mul3A_147 = arith.constant 4 : i32
      %mul3A_148 = arith.muli %scan3A_35, %mul3A_147 : i32
      %add3A_149 = arith.constant 1 : i32
      %add3A_150 = arith.addi %mul3A_148, %add3A_149 : i32
      %dma_wait3A_151 = arith.constant 0 : i32
      %dma_wait3A_152 = tpu.memref_slice %arg8[%add3A_150, %dma_wait3A_151] : memref<40x128xi32, #tpu.memory_space<vmem>> -> memref<1x128xi32, #tpu.memory_space<vmem>>
      %dma_wait3A_153 = tpu.memref_squeeze %dma_wait3A_152 : memref<1x128xi32, #tpu.memory_space<vmem>> -> memref<128xi32, #tpu.memory_space<vmem>>
      %dma_wait3A_154 = arith.constant 0 : i32
      %dma_wait3A_155 = arith.constant 0 : i32
      %dma_wait3A_156 = tpu.memref_slice %arg14[%dma_wait3A_154, %dma_wait3A_155] : memref<10240x64xf32, #tpu.memory_space<vmem_shared>> -> memref<10240x64xf32, #tpu.memory_space<vmem_shared>>
      tpu.wait_indirect_dma semaphore(%arg20 : memref<!tpu.dma_semaphore, #tpu.memory_space<semaphore_mem>>) src(%arg10 : memref<128x64xf32, #tpu.memory_space<vmem>>) dst(%dma_wait3A_156 : memref<10240x64xf32, #tpu.memory_space<vmem_shared>>)
      %mul3A_157 = arith.constant 4 : i32
      %mul3A_158 = arith.muli %scan3A_35, %mul3A_157 : i32
      %add3A_159 = arith.constant 2 : i32
      %add3A_160 = arith.addi %mul3A_158, %add3A_159 : i32
      %dma_wait3A_161 = arith.constant 0 : i32
      %dma_wait3A_162 = tpu.memref_slice %arg8[%add3A_160, %dma_wait3A_161] : memref<40x128xi32, #tpu.memory_space<vmem>> -> memref<1x128xi32, #tpu.memory_space<vmem>>
      %dma_wait3A_163 = tpu.memref_squeeze %dma_wait3A_162 : memref<1x128xi32, #tpu.memory_space<vmem>> -> memref<128xi32, #tpu.memory_space<vmem>>
      %dma_wait3A_164 = arith.constant 0 : i32
      %dma_wait3A_165 = arith.constant 0 : i32
      %dma_wait3A_166 = tpu.memref_slice %arg14[%dma_wait3A_164, %dma_wait3A_165] : memref<10240x64xf32, #tpu.memory_space<vmem_shared>> -> memref<10240x64xf32, #tpu.memory_space<vmem_shared>>
      tpu.wait_indirect_dma semaphore(%arg21 : memref<!tpu.dma_semaphore, #tpu.memory_space<semaphore_mem>>) src(%arg11 : memref<128x64xf32, #tpu.memory_space<vmem>>) dst(%dma_wait3A_166 : memref<10240x64xf32, #tpu.memory_space<vmem_shared>>)
      %mul3A_167 = arith.constant 4 : i32
      %mul3A_168 = arith.muli %scan3A_35, %mul3A_167 : i32
      %add3A_169 = arith.constant 3 : i32
      %add3A_170 = arith.addi %mul3A_168, %add3A_169 : i32
      %dma_wait3A_171 = arith.constant 0 : i32
      %dma_wait3A_172 = tpu.memref_slice %arg8[%add3A_170, %dma_wait3A_171] : memref<40x128xi32, #tpu.memory_space<vmem>> -> memref<1x128xi32, #tpu.memory_space<vmem>>
      %dma_wait3A_173 = tpu.memref_squeeze %dma_wait3A_172 : memref<1x128xi32, #tpu.memory_space<vmem>> -> memref<128xi32, #tpu.memory_space<vmem>>
      %dma_wait3A_174 = arith.constant 0 : i32
      %dma_wait3A_175 = arith.constant 0 : i32
      %dma_wait3A_176 = tpu.memref_slice %arg14[%dma_wait3A_174, %dma_wait3A_175] : memref<10240x64xf32, #tpu.memory_space<vmem_shared>> -> memref<10240x64xf32, #tpu.memory_space<vmem_shared>>
      tpu.wait_indirect_dma semaphore(%arg22 : memref<!tpu.dma_semaphore, #tpu.memory_space<semaphore_mem>>) src(%arg12 : memref<128x64xf32, #tpu.memory_space<vmem>>) dst(%dma_wait3A_176 : memref<10240x64xf32, #tpu.memory_space<vmem_shared>>)
    }
    %scan3A_23 = arith.constant 10 : i32
    "tpu.region"() ({
      %run_scoped3A = tpu.sem_alloc : memref<!tpu.dma_semaphore, #tpu.memory_space<semaphore_mem>>
      %dma_start3A = arith.constant 0 : i32
      %dma_start3A_35 = arith.constant 0 : i32
      %dma_start3A_36 = tpu.memref_slice %arg3[%arg1, %dma_start3A, %dma_start3A_35] : memref<16x160x128xi32, #tpu.memory_space<hbm>> -> memref<1x160x128xi32, #tpu.memory_space<hbm>>
      %dma_start3A_37 = tpu.memref_squeeze %dma_start3A_36 : memref<1x160x128xi32, #tpu.memory_space<hbm>> -> memref<160x128xi32, #tpu.memory_space<hbm>>
      %dma_start3A_38 = arith.constant 120 : i32
      %dma_start3A_39 = arith.constant 0 : i32
      %dma_start3A_40 = tpu.memref_slice %dma_start3A_37[%dma_start3A_38, %dma_start3A_39] : memref<160x128xi32, #tpu.memory_space<hbm>> -> memref<40x128xi32, #tpu.memory_space<hbm>>
      %dma_start3A_41 = arith.constant 0 : i32
      %dma_start3A_42 = arith.constant 0 : i32
      %dma_start3A_43 = tpu.memref_slice %arg3[%arg1, %dma_start3A_41, %dma_start3A_42] : memref<16x160x128xi32, #tpu.memory_space<hbm>> -> memref<1x160x128xi32, #tpu.memory_space<hbm>>
      %dma_start3A_44 = tpu.memref_squeeze %dma_start3A_43 : memref<1x160x128xi32, #tpu.memory_space<hbm>> -> memref<160x128xi32, #tpu.memory_space<hbm>>
      %dma_start3A_45 = arith.constant 120 : i32
      %dma_start3A_46 = arith.constant 0 : i32
      %dma_start3A_47 = tpu.memref_slice %dma_start3A_44[%dma_start3A_45, %dma_start3A_46] : memref<160x128xi32, #tpu.memory_space<hbm>> -> memref<40x128xi32, #tpu.memory_space<hbm>>
      tpu.enqueue_dma source(%dma_start3A_47 : memref<40x128xi32, #tpu.memory_space<hbm>>) target(%arg7 : memref<40x128xi32, #tpu.memory_space<vmem>>) target_semaphore(%run_scoped3A : memref<!tpu.dma_semaphore, #tpu.memory_space<semaphore_mem>>)
      %dma_wait3A = arith.constant 0 : i32
      %dma_wait3A_48 = arith.constant 0 : i32
      %dma_wait3A_49 = tpu.memref_slice %arg3[%arg1, %dma_wait3A, %dma_wait3A_48] : memref<16x160x128xi32, #tpu.memory_space<hbm>> -> memref<1x160x128xi32, #tpu.memory_space<hbm>>
      %dma_wait3A_50 = tpu.memref_squeeze %dma_wait3A_49 : memref<1x160x128xi32, #tpu.memory_space<hbm>> -> memref<160x128xi32, #tpu.memory_space<hbm>>
      %dma_wait3A_51 = arith.constant 120 : i32
      %dma_wait3A_52 = arith.constant 0 : i32
      %dma_wait3A_53 = tpu.memref_slice %dma_wait3A_50[%dma_wait3A_51, %dma_wait3A_52] : memref<160x128xi32, #tpu.memory_space<hbm>> -> memref<40x128xi32, #tpu.memory_space<hbm>>
      %dma_wait3A_54 = arith.constant 0 : i32
      %dma_wait3A_55 = arith.constant 0 : i32
      %dma_wait3A_56 = tpu.memref_slice %arg3[%arg1, %dma_wait3A_54, %dma_wait3A_55] : memref<16x160x128xi32, #tpu.memory_space<hbm>> -> memref<1x160x128xi32, #tpu.memory_space<hbm>>
      %dma_wait3A_57 = tpu.memref_squeeze %dma_wait3A_56 : memref<1x160x128xi32, #tpu.memory_space<hbm>> -> memref<160x128xi32, #tpu.memory_space<hbm>>
      %dma_wait3A_58 = arith.constant 120 : i32
      %dma_wait3A_59 = arith.constant 0 : i32
      %dma_wait3A_60 = tpu.memref_slice %dma_wait3A_57[%dma_wait3A_58, %dma_wait3A_59] : memref<160x128xi32, #tpu.memory_space<hbm>> -> memref<40x128xi32, #tpu.memory_space<hbm>>
      tpu.wait_dma2 semaphore(%run_scoped3A : memref<!tpu.dma_semaphore, #tpu.memory_space<semaphore_mem>>) src(%dma_wait3A_60 : memref<40x128xi32, #tpu.memory_space<hbm>>) dst(%arg7 : memref<40x128xi32, #tpu.memory_space<vmem>>)
      tpu.yield
    }) : () -> ()
    "tpu.region"() ({
      %run_scoped3A = tpu.sem_alloc : memref<!tpu.dma_semaphore, #tpu.memory_space<semaphore_mem>>
      %dma_start3A = arith.constant 0 : i32
      %dma_start3A_35 = arith.constant 0 : i32
      %dma_start3A_36 = tpu.memref_slice %arg4[%arg1, %dma_start3A, %dma_start3A_35] : memref<16x160x128xi32, #tpu.memory_space<hbm>> -> memref<1x160x128xi32, #tpu.memory_space<hbm>>
      %dma_start3A_37 = tpu.memref_squeeze %dma_start3A_36 : memref<1x160x128xi32, #tpu.memory_space<hbm>> -> memref<160x128xi32, #tpu.memory_space<hbm>>
      %dma_start3A_38 = arith.constant 120 : i32
      %dma_start3A_39 = arith.constant 0 : i32
      %dma_start3A_40 = tpu.memref_slice %dma_start3A_37[%dma_start3A_38, %dma_start3A_39] : memref<160x128xi32, #tpu.memory_space<hbm>> -> memref<40x128xi32, #tpu.memory_space<hbm>>
      %dma_start3A_41 = arith.constant 0 : i32
      %dma_start3A_42 = arith.constant 0 : i32
      %dma_start3A_43 = tpu.memref_slice %arg4[%arg1, %dma_start3A_41, %dma_start3A_42] : memref<16x160x128xi32, #tpu.memory_space<hbm>> -> memref<1x160x128xi32, #tpu.memory_space<hbm>>
      %dma_start3A_44 = tpu.memref_squeeze %dma_start3A_43 : memref<1x160x128xi32, #tpu.memory_space<hbm>> -> memref<160x128xi32, #tpu.memory_space<hbm>>
      %dma_start3A_45 = arith.constant 120 : i32
      %dma_start3A_46 = arith.constant 0 : i32
      %dma_start3A_47 = tpu.memref_slice %dma_start3A_44[%dma_start3A_45, %dma_start3A_46] : memref<160x128xi32, #tpu.memory_space<hbm>> -> memref<40x128xi32, #tpu.memory_space<hbm>>
      tpu.enqueue_dma source(%dma_start3A_47 : memref<40x128xi32, #tpu.memory_space<hbm>>) target(%arg8 : memref<40x128xi32, #tpu.memory_space<vmem>>) target_semaphore(%run_scoped3A : memref<!tpu.dma_semaphore, #tpu.memory_space<semaphore_mem>>)
      %dma_wait3A = arith.constant 0 : i32
      %dma_wait3A_48 = arith.constant 0 : i32
      %dma_wait3A_49 = tpu.memref_slice %arg4[%arg1, %dma_wait3A, %dma_wait3A_48] : memref<16x160x128xi32, #tpu.memory_space<hbm>> -> memref<1x160x128xi32, #tpu.memory_space<hbm>>
      %dma_wait3A_50 = tpu.memref_squeeze %dma_wait3A_49 : memref<1x160x128xi32, #tpu.memory_space<hbm>> -> memref<160x128xi32, #tpu.memory_space<hbm>>
      %dma_wait3A_51 = arith.constant 120 : i32
      %dma_wait3A_52 = arith.constant 0 : i32
      %dma_wait3A_53 = tpu.memref_slice %dma_wait3A_50[%dma_wait3A_51, %dma_wait3A_52] : memref<160x128xi32, #tpu.memory_space<hbm>> -> memref<40x128xi32, #tpu.memory_space<hbm>>
      %dma_wait3A_54 = arith.constant 0 : i32
      %dma_wait3A_55 = arith.constant 0 : i32
      %dma_wait3A_56 = tpu.memref_slice %arg4[%arg1, %dma_wait3A_54, %dma_wait3A_55] : memref<16x160x128xi32, #tpu.memory_space<hbm>> -> memref<1x160x128xi32, #tpu.memory_space<hbm>>
      %dma_wait3A_57 = tpu.memref_squeeze %dma_wait3A_56 : memref<1x160x128xi32, #tpu.memory_space<hbm>> -> memref<160x128xi32, #tpu.memory_space<hbm>>
      %dma_wait3A_58 = arith.constant 120 : i32
      %dma_wait3A_59 = arith.constant 0 : i32
      %dma_wait3A_60 = tpu.memref_slice %dma_wait3A_57[%dma_wait3A_58, %dma_wait3A_59] : memref<160x128xi32, #tpu.memory_space<hbm>> -> memref<40x128xi32, #tpu.memory_space<hbm>>
      tpu.wait_dma2 semaphore(%run_scoped3A : memref<!tpu.dma_semaphore, #tpu.memory_space<semaphore_mem>>) src(%dma_wait3A_60 : memref<40x128xi32, #tpu.memory_space<hbm>>) dst(%arg8 : memref<40x128xi32, #tpu.memory_space<vmem>>)
      tpu.yield
    }) : () -> ()
    %scan3A_24 = arith.constant 0 : i32
    %scan3A_25 = arith.constant 0 : i32
    %scan3A_26 = arith.constant 10 : i32
    %scan3A_27 = arith.addi %scan3A_25, %scan3A_26 : i32
    %scan3A_28 = arith.constant 1 : i32
    scf.for %scan3A_35 = %scan3A_25 to %scan3A_27 step %scan3A_28  : i32 {
      %mul3A_36 = arith.constant 4 : i32
      %mul3A_37 = arith.muli %scan3A_35, %mul3A_36 : i32
      %add3A = arith.constant 0 : i32
      %add3A_38 = arith.addi %mul3A_37, %add3A : i32
      %dma_start3A = arith.constant 0 : i32
      %dma_start3A_39 = tpu.memref_slice %arg7[%add3A_38, %dma_start3A] : memref<40x128xi32, #tpu.memory_space<vmem>> -> memref<1x128xi32, #tpu.memory_space<vmem>>
      %dma_start3A_40 = tpu.memref_squeeze %dma_start3A_39 : memref<1x128xi32, #tpu.memory_space<vmem>> -> memref<128xi32, #tpu.memory_space<vmem>>
      %dma_start3A_41 = arith.constant 0 : i32
      %dma_start3A_42 = arith.constant 0 : i32
      %dma_start3A_43 = tpu.memref_slice %arg13[%dma_start3A_41, %dma_start3A_42] : memref<10240x64xf32, #tpu.memory_space<vmem_shared>> -> memref<10240x64xf32, #tpu.memory_space<vmem_shared>>
      tpu.enqueue_indirect_dma source(%dma_start3A_43 : memref<10240x64xf32, #tpu.memory_space<vmem_shared>>) target(%arg9 : memref<128x64xf32, #tpu.memory_space<vmem>>) offsets(%dma_start3A_40 : memref<128xi32, #tpu.memory_space<vmem>>) semaphore(%arg15 : memref<!tpu.dma_semaphore, #tpu.memory_space<semaphore_mem>>)
      %mul3A_44 = arith.constant 4 : i32
      %mul3A_45 = arith.muli %scan3A_35, %mul3A_44 : i32
      %add3A_46 = arith.constant 1 : i32
      %add3A_47 = arith.addi %mul3A_45, %add3A_46 : i32
      %dma_start3A_48 = arith.constant 0 : i32
      %dma_start3A_49 = tpu.memref_slice %arg7[%add3A_47, %dma_start3A_48] : memref<40x128xi32, #tpu.memory_space<vmem>> -> memref<1x128xi32, #tpu.memory_space<vmem>>
      %dma_start3A_50 = tpu.memref_squeeze %dma_start3A_49 : memref<1x128xi32, #tpu.memory_space<vmem>> -> memref<128xi32, #tpu.memory_space<vmem>>
      %dma_start3A_51 = arith.constant 0 : i32
      %dma_start3A_52 = arith.constant 0 : i32
      %dma_start3A_53 = tpu.memref_slice %arg13[%dma_start3A_51, %dma_start3A_52] : memref<10240x64xf32, #tpu.memory_space<vmem_shared>> -> memref<10240x64xf32, #tpu.memory_space<vmem_shared>>
      tpu.enqueue_indirect_dma source(%dma_start3A_53 : memref<10240x64xf32, #tpu.memory_space<vmem_shared>>) target(%arg10 : memref<128x64xf32, #tpu.memory_space<vmem>>) offsets(%dma_start3A_50 : memref<128xi32, #tpu.memory_space<vmem>>) semaphore(%arg16 : memref<!tpu.dma_semaphore, #tpu.memory_space<semaphore_mem>>)
      %mul3A_54 = arith.constant 4 : i32
      %mul3A_55 = arith.muli %scan3A_35, %mul3A_54 : i32
      %add3A_56 = arith.constant 2 : i32
      %add3A_57 = arith.addi %mul3A_55, %add3A_56 : i32
      %dma_start3A_58 = arith.constant 0 : i32
      %dma_start3A_59 = tpu.memref_slice %arg7[%add3A_57, %dma_start3A_58] : memref<40x128xi32, #tpu.memory_space<vmem>> -> memref<1x128xi32, #tpu.memory_space<vmem>>
      %dma_start3A_60 = tpu.memref_squeeze %dma_start3A_59 : memref<1x128xi32, #tpu.memory_space<vmem>> -> memref<128xi32, #tpu.memory_space<vmem>>
      %dma_start3A_61 = arith.constant 0 : i32
      %dma_start3A_62 = arith.constant 0 : i32
      %dma_start3A_63 = tpu.memref_slice %arg13[%dma_start3A_61, %dma_start3A_62] : memref<10240x64xf32, #tpu.memory_space<vmem_shared>> -> memref<10240x64xf32, #tpu.memory_space<vmem_shared>>
      tpu.enqueue_indirect_dma source(%dma_start3A_63 : memref<10240x64xf32, #tpu.memory_space<vmem_shared>>) target(%arg11 : memref<128x64xf32, #tpu.memory_space<vmem>>) offsets(%dma_start3A_60 : memref<128xi32, #tpu.memory_space<vmem>>) semaphore(%arg17 : memref<!tpu.dma_semaphore, #tpu.memory_space<semaphore_mem>>)
      %mul3A_64 = arith.constant 4 : i32
      %mul3A_65 = arith.muli %scan3A_35, %mul3A_64 : i32
      %add3A_66 = arith.constant 3 : i32
      %add3A_67 = arith.addi %mul3A_65, %add3A_66 : i32
      %dma_start3A_68 = arith.constant 0 : i32
      %dma_start3A_69 = tpu.memref_slice %arg7[%add3A_67, %dma_start3A_68] : memref<40x128xi32, #tpu.memory_space<vmem>> -> memref<1x128xi32, #tpu.memory_space<vmem>>
      %dma_start3A_70 = tpu.memref_squeeze %dma_start3A_69 : memref<1x128xi32, #tpu.memory_space<vmem>> -> memref<128xi32, #tpu.memory_space<vmem>>
      %dma_start3A_71 = arith.constant 0 : i32
      %dma_start3A_72 = arith.constant 0 : i32
      %dma_start3A_73 = tpu.memref_slice %arg13[%dma_start3A_71, %dma_start3A_72] : memref<10240x64xf32, #tpu.memory_space<vmem_shared>> -> memref<10240x64xf32, #tpu.memory_space<vmem_shared>>
      tpu.enqueue_indirect_dma source(%dma_start3A_73 : memref<10240x64xf32, #tpu.memory_space<vmem_shared>>) target(%arg12 : memref<128x64xf32, #tpu.memory_space<vmem>>) offsets(%dma_start3A_70 : memref<128xi32, #tpu.memory_space<vmem>>) semaphore(%arg18 : memref<!tpu.dma_semaphore, #tpu.memory_space<semaphore_mem>>)
      %mul3A_74 = arith.constant 4 : i32
      %mul3A_75 = arith.muli %scan3A_35, %mul3A_74 : i32
      %add3A_76 = arith.constant 0 : i32
      %add3A_77 = arith.addi %mul3A_75, %add3A_76 : i32
      %dma_wait3A = arith.constant 0 : i32
      %dma_wait3A_78 = tpu.memref_slice %arg7[%add3A_77, %dma_wait3A] : memref<40x128xi32, #tpu.memory_space<vmem>> -> memref<1x128xi32, #tpu.memory_space<vmem>>
      %dma_wait3A_79 = tpu.memref_squeeze %dma_wait3A_78 : memref<1x128xi32, #tpu.memory_space<vmem>> -> memref<128xi32, #tpu.memory_space<vmem>>
      %dma_wait3A_80 = arith.constant 0 : i32
      %dma_wait3A_81 = arith.constant 0 : i32
      %dma_wait3A_82 = tpu.memref_slice %arg13[%dma_wait3A_80, %dma_wait3A_81] : memref<10240x64xf32, #tpu.memory_space<vmem_shared>> -> memref<10240x64xf32, #tpu.memory_space<vmem_shared>>
      tpu.wait_indirect_dma semaphore(%arg15 : memref<!tpu.dma_semaphore, #tpu.memory_space<semaphore_mem>>) src(%dma_wait3A_82 : memref<10240x64xf32, #tpu.memory_space<vmem_shared>>) dst(%arg9 : memref<128x64xf32, #tpu.memory_space<vmem>>)
      %dma_start3A_83 = arith.constant 0 : i32
      %dma_start3A_84 = tpu.memref_slice %arg8[%add3A_77, %dma_start3A_83] : memref<40x128xi32, #tpu.memory_space<vmem>> -> memref<1x128xi32, #tpu.memory_space<vmem>>
      %dma_start3A_85 = tpu.memref_squeeze %dma_start3A_84 : memref<1x128xi32, #tpu.memory_space<vmem>> -> memref<128xi32, #tpu.memory_space<vmem>>
      %dma_start3A_86 = arith.constant 0 : i32
      %dma_start3A_87 = arith.constant 0 : i32
      %dma_start3A_88 = tpu.memref_slice %arg14[%dma_start3A_86, %dma_start3A_87] : memref<10240x64xf32, #tpu.memory_space<vmem_shared>> -> memref<10240x64xf32, #tpu.memory_space<vmem_shared>>
      tpu.enqueue_indirect_dma source(%arg9 : memref<128x64xf32, #tpu.memory_space<vmem>>) target(%dma_start3A_88 : memref<10240x64xf32, #tpu.memory_space<vmem_shared>>) offsets(%dma_start3A_85 : memref<128xi32, #tpu.memory_space<vmem>>) semaphore(%arg19 : memref<!tpu.dma_semaphore, #tpu.memory_space<semaphore_mem>>) {add = true}
      %mul3A_89 = arith.constant 4 : i32
      %mul3A_90 = arith.muli %scan3A_35, %mul3A_89 : i32
      %add3A_91 = arith.constant 1 : i32
      %add3A_92 = arith.addi %mul3A_90, %add3A_91 : i32
      %dma_wait3A_93 = arith.constant 0 : i32
      %dma_wait3A_94 = tpu.memref_slice %arg7[%add3A_92, %dma_wait3A_93] : memref<40x128xi32, #tpu.memory_space<vmem>> -> memref<1x128xi32, #tpu.memory_space<vmem>>
      %dma_wait3A_95 = tpu.memref_squeeze %dma_wait3A_94 : memref<1x128xi32, #tpu.memory_space<vmem>> -> memref<128xi32, #tpu.memory_space<vmem>>
      %dma_wait3A_96 = arith.constant 0 : i32
      %dma_wait3A_97 = arith.constant 0 : i32
      %dma_wait3A_98 = tpu.memref_slice %arg13[%dma_wait3A_96, %dma_wait3A_97] : memref<10240x64xf32, #tpu.memory_space<vmem_shared>> -> memref<10240x64xf32, #tpu.memory_space<vmem_shared>>
      tpu.wait_indirect_dma semaphore(%arg16 : memref<!tpu.dma_semaphore, #tpu.memory_space<semaphore_mem>>) src(%dma_wait3A_98 : memref<10240x64xf32, #tpu.memory_space<vmem_shared>>) dst(%arg10 : memref<128x64xf32, #tpu.memory_space<vmem>>)
      %dma_start3A_99 = arith.constant 0 : i32
      %dma_start3A_100 = tpu.memref_slice %arg8[%add3A_92, %dma_start3A_99] : memref<40x128xi32, #tpu.memory_space<vmem>> -> memref<1x128xi32, #tpu.memory_space<vmem>>
      %dma_start3A_101 = tpu.memref_squeeze %dma_start3A_100 : memref<1x128xi32, #tpu.memory_space<vmem>> -> memref<128xi32, #tpu.memory_space<vmem>>
      %dma_start3A_102 = arith.constant 0 : i32
      %dma_start3A_103 = arith.constant 0 : i32
      %dma_start3A_104 = tpu.memref_slice %arg14[%dma_start3A_102, %dma_start3A_103] : memref<10240x64xf32, #tpu.memory_space<vmem_shared>> -> memref<10240x64xf32, #tpu.memory_space<vmem_shared>>
      tpu.enqueue_indirect_dma source(%arg10 : memref<128x64xf32, #tpu.memory_space<vmem>>) target(%dma_start3A_104 : memref<10240x64xf32, #tpu.memory_space<vmem_shared>>) offsets(%dma_start3A_101 : memref<128xi32, #tpu.memory_space<vmem>>) semaphore(%arg20 : memref<!tpu.dma_semaphore, #tpu.memory_space<semaphore_mem>>) {add = true}
      %mul3A_105 = arith.constant 4 : i32
      %mul3A_106 = arith.muli %scan3A_35, %mul3A_105 : i32
      %add3A_107 = arith.constant 2 : i32
      %add3A_108 = arith.addi %mul3A_106, %add3A_107 : i32
      %dma_wait3A_109 = arith.constant 0 : i32
      %dma_wait3A_110 = tpu.memref_slice %arg7[%add3A_108, %dma_wait3A_109] : memref<40x128xi32, #tpu.memory_space<vmem>> -> memref<1x128xi32, #tpu.memory_space<vmem>>
      %dma_wait3A_111 = tpu.memref_squeeze %dma_wait3A_110 : memref<1x128xi32, #tpu.memory_space<vmem>> -> memref<128xi32, #tpu.memory_space<vmem>>
      %dma_wait3A_112 = arith.constant 0 : i32
      %dma_wait3A_113 = arith.constant 0 : i32
      %dma_wait3A_114 = tpu.memref_slice %arg13[%dma_wait3A_112, %dma_wait3A_113] : memref<10240x64xf32, #tpu.memory_space<vmem_shared>> -> memref<10240x64xf32, #tpu.memory_space<vmem_shared>>
      tpu.wait_indirect_dma semaphore(%arg17 : memref<!tpu.dma_semaphore, #tpu.memory_space<semaphore_mem>>) src(%dma_wait3A_114 : memref<10240x64xf32, #tpu.memory_space<vmem_shared>>) dst(%arg11 : memref<128x64xf32, #tpu.memory_space<vmem>>)
      %dma_start3A_115 = arith.constant 0 : i32
      %dma_start3A_116 = tpu.memref_slice %arg8[%add3A_108, %dma_start3A_115] : memref<40x128xi32, #tpu.memory_space<vmem>> -> memref<1x128xi32, #tpu.memory_space<vmem>>
      %dma_start3A_117 = tpu.memref_squeeze %dma_start3A_116 : memref<1x128xi32, #tpu.memory_space<vmem>> -> memref<128xi32, #tpu.memory_space<vmem>>
      %dma_start3A_118 = arith.constant 0 : i32
      %dma_start3A_119 = arith.constant 0 : i32
      %dma_start3A_120 = tpu.memref_slice %arg14[%dma_start3A_118, %dma_start3A_119] : memref<10240x64xf32, #tpu.memory_space<vmem_shared>> -> memref<10240x64xf32, #tpu.memory_space<vmem_shared>>
      tpu.enqueue_indirect_dma source(%arg11 : memref<128x64xf32, #tpu.memory_space<vmem>>) target(%dma_start3A_120 : memref<10240x64xf32, #tpu.memory_space<vmem_shared>>) offsets(%dma_start3A_117 : memref<128xi32, #tpu.memory_space<vmem>>) semaphore(%arg21 : memref<!tpu.dma_semaphore, #tpu.memory_space<semaphore_mem>>) {add = true}
      %mul3A_121 = arith.constant 4 : i32
      %mul3A_122 = arith.muli %scan3A_35, %mul3A_121 : i32
      %add3A_123 = arith.constant 3 : i32
      %add3A_124 = arith.addi %mul3A_122, %add3A_123 : i32
      %dma_wait3A_125 = arith.constant 0 : i32
      %dma_wait3A_126 = tpu.memref_slice %arg7[%add3A_124, %dma_wait3A_125] : memref<40x128xi32, #tpu.memory_space<vmem>> -> memref<1x128xi32, #tpu.memory_space<vmem>>
      %dma_wait3A_127 = tpu.memref_squeeze %dma_wait3A_126 : memref<1x128xi32, #tpu.memory_space<vmem>> -> memref<128xi32, #tpu.memory_space<vmem>>
      %dma_wait3A_128 = arith.constant 0 : i32
      %dma_wait3A_129 = arith.constant 0 : i32
      %dma_wait3A_130 = tpu.memref_slice %arg13[%dma_wait3A_128, %dma_wait3A_129] : memref<10240x64xf32, #tpu.memory_space<vmem_shared>> -> memref<10240x64xf32, #tpu.memory_space<vmem_shared>>
      tpu.wait_indirect_dma semaphore(%arg18 : memref<!tpu.dma_semaphore, #tpu.memory_space<semaphore_mem>>) src(%dma_wait3A_130 : memref<10240x64xf32, #tpu.memory_space<vmem_shared>>) dst(%arg12 : memref<128x64xf32, #tpu.memory_space<vmem>>)
      %dma_start3A_131 = arith.constant 0 : i32
      %dma_start3A_132 = tpu.memref_slice %arg8[%add3A_124, %dma_start3A_131] : memref<40x128xi32, #tpu.memory_space<vmem>> -> memref<1x128xi32, #tpu.memory_space<vmem>>
      %dma_start3A_133 = tpu.memref_squeeze %dma_start3A_132 : memref<1x128xi32, #tpu.memory_space<vmem>> -> memref<128xi32, #tpu.memory_space<vmem>>
      %dma_start3A_134 = arith.constant 0 : i32
      %dma_start3A_135 = arith.constant 0 : i32
      %dma_start3A_136 = tpu.memref_slice %arg14[%dma_start3A_134, %dma_start3A_135] : memref<10240x64xf32, #tpu.memory_space<vmem_shared>> -> memref<10240x64xf32, #tpu.memory_space<vmem_shared>>
      tpu.enqueue_indirect_dma source(%arg12 : memref<128x64xf32, #tpu.memory_space<vmem>>) target(%dma_start3A_136 : memref<10240x64xf32, #tpu.memory_space<vmem_shared>>) offsets(%dma_start3A_133 : memref<128xi32, #tpu.memory_space<vmem>>) semaphore(%arg22 : memref<!tpu.dma_semaphore, #tpu.memory_space<semaphore_mem>>) {add = true}
      %mul3A_137 = arith.constant 4 : i32
      %mul3A_138 = arith.muli %scan3A_35, %mul3A_137 : i32
      %add3A_139 = arith.constant 0 : i32
      %add3A_140 = arith.addi %mul3A_138, %add3A_139 : i32
      %dma_wait3A_141 = arith.constant 0 : i32
      %dma_wait3A_142 = tpu.memref_slice %arg8[%add3A_140, %dma_wait3A_141] : memref<40x128xi32, #tpu.memory_space<vmem>> -> memref<1x128xi32, #tpu.memory_space<vmem>>
      %dma_wait3A_143 = tpu.memref_squeeze %dma_wait3A_142 : memref<1x128xi32, #tpu.memory_space<vmem>> -> memref<128xi32, #tpu.memory_space<vmem>>
      %dma_wait3A_144 = arith.constant 0 : i32
      %dma_wait3A_145 = arith.constant 0 : i32
      %dma_wait3A_146 = tpu.memref_slice %arg14[%dma_wait3A_144, %dma_wait3A_145] : memref<10240x64xf32, #tpu.memory_space<vmem_shared>> -> memref<10240x64xf32, #tpu.memory_space<vmem_shared>>
      tpu.wait_indirect_dma semaphore(%arg19 : memref<!tpu.dma_semaphore, #tpu.memory_space<semaphore_mem>>) src(%arg9 : memref<128x64xf32, #tpu.memory_space<vmem>>) dst(%dma_wait3A_146 : memref<10240x64xf32, #tpu.memory_space<vmem_shared>>)
      %mul3A_147 = arith.constant 4 : i32
      %mul3A_148 = arith.muli %scan3A_35, %mul3A_147 : i32
      %add3A_149 = arith.constant 1 : i32
      %add3A_150 = arith.addi %mul3A_148, %add3A_149 : i32
      %dma_wait3A_151 = arith.constant 0 : i32
      %dma_wait3A_152 = tpu.memref_slice %arg8[%add3A_150, %dma_wait3A_151] : memref<40x128xi32, #tpu.memory_space<vmem>> -> memref<1x128xi32, #tpu.memory_space<vmem>>
      %dma_wait3A_153 = tpu.memref_squeeze %dma_wait3A_152 : memref<1x128xi32, #tpu.memory_space<vmem>> -> memref<128xi32, #tpu.memory_space<vmem>>
      %dma_wait3A_154 = arith.constant 0 : i32
      %dma_wait3A_155 = arith.constant 0 : i32
      %dma_wait3A_156 = tpu.memref_slice %arg14[%dma_wait3A_154, %dma_wait3A_155] : memref<10240x64xf32, #tpu.memory_space<vmem_shared>> -> memref<10240x64xf32, #tpu.memory_space<vmem_shared>>
      tpu.wait_indirect_dma semaphore(%arg20 : memref<!tpu.dma_semaphore, #tpu.memory_space<semaphore_mem>>) src(%arg10 : memref<128x64xf32, #tpu.memory_space<vmem>>) dst(%dma_wait3A_156 : memref<10240x64xf32, #tpu.memory_space<vmem_shared>>)
      %mul3A_157 = arith.constant 4 : i32
      %mul3A_158 = arith.muli %scan3A_35, %mul3A_157 : i32
      %add3A_159 = arith.constant 2 : i32
      %add3A_160 = arith.addi %mul3A_158, %add3A_159 : i32
      %dma_wait3A_161 = arith.constant 0 : i32
      %dma_wait3A_162 = tpu.memref_slice %arg8[%add3A_160, %dma_wait3A_161] : memref<40x128xi32, #tpu.memory_space<vmem>> -> memref<1x128xi32, #tpu.memory_space<vmem>>
      %dma_wait3A_163 = tpu.memref_squeeze %dma_wait3A_162 : memref<1x128xi32, #tpu.memory_space<vmem>> -> memref<128xi32, #tpu.memory_space<vmem>>
      %dma_wait3A_164 = arith.constant 0 : i32
      %dma_wait3A_165 = arith.constant 0 : i32
      %dma_wait3A_166 = tpu.memref_slice %arg14[%dma_wait3A_164, %dma_wait3A_165] : memref<10240x64xf32, #tpu.memory_space<vmem_shared>> -> memref<10240x64xf32, #tpu.memory_space<vmem_shared>>
      tpu.wait_indirect_dma semaphore(%arg21 : memref<!tpu.dma_semaphore, #tpu.memory_space<semaphore_mem>>) src(%arg11 : memref<128x64xf32, #tpu.memory_space<vmem>>) dst(%dma_wait3A_166 : memref<10240x64xf32, #tpu.memory_space<vmem_shared>>)
      %mul3A_167 = arith.constant 4 : i32
      %mul3A_168 = arith.muli %scan3A_35, %mul3A_167 : i32
      %add3A_169 = arith.constant 3 : i32
      %add3A_170 = arith.addi %mul3A_168, %add3A_169 : i32
      %dma_wait3A_171 = arith.constant 0 : i32
      %dma_wait3A_172 = tpu.memref_slice %arg8[%add3A_170, %dma_wait3A_171] : memref<40x128xi32, #tpu.memory_space<vmem>> -> memref<1x128xi32, #tpu.memory_space<vmem>>
      %dma_wait3A_173 = tpu.memref_squeeze %dma_wait3A_172 : memref<1x128xi32, #tpu.memory_space<vmem>> -> memref<128xi32, #tpu.memory_space<vmem>>
      %dma_wait3A_174 = arith.constant 0 : i32
      %dma_wait3A_175 = arith.constant 0 : i32
      %dma_wait3A_176 = tpu.memref_slice %arg14[%dma_wait3A_174, %dma_wait3A_175] : memref<10240x64xf32, #tpu.memory_space<vmem_shared>> -> memref<10240x64xf32, #tpu.memory_space<vmem_shared>>
      tpu.wait_indirect_dma semaphore(%arg22 : memref<!tpu.dma_semaphore, #tpu.memory_space<semaphore_mem>>) src(%arg12 : memref<128x64xf32, #tpu.memory_space<vmem>>) dst(%dma_wait3A_176 : memref<10240x64xf32, #tpu.memory_space<vmem_shared>>)
    }
    %scan3A_29 = arith.constant 10 : i32
    %barrier3A_30 = arith.constant 0 : index
    tpu.barrier barrier_id(%barrier3A_30)
    %mul3A_31 = arith.constant 640 : i32
    %mul3A_32 = arith.muli %arg1, %mul3A_31 : i32
    %mul3A_33 = arith.constant 640 : i32
    %mul3A_34 = arith.muli %arg1, %mul3A_33 : i32
    "tpu.region"() ({
      %run_scoped3A = tpu.sem_alloc : memref<!tpu.dma_semaphore, #tpu.memory_space<semaphore_mem>>
      %dma_start3A = arith.constant 0 : i32
      %dma_start3A_35 = arith.constant 0 : i32
      %dma_start3A_36 = tpu.memref_slice %arg6[%arg0, %dma_start3A, %dma_start3A_35] : memref<2x10240x64xf32, #tpu.memory_space<hbm>> -> memref<1x10240x64xf32, #tpu.memory_space<hbm>>
      %dma_start3A_37 = tpu.memref_squeeze %dma_start3A_36 : memref<1x10240x64xf32, #tpu.memory_space<hbm>> -> memref<10240x64xf32, #tpu.memory_space<hbm>>
      %dma_start3A_38 = arith.constant 0 : i32
      %dma_start3A_39 = tpu.memref_slice %dma_start3A_37[%mul3A_34, %dma_start3A_38] : memref<10240x64xf32, #tpu.memory_space<hbm>> -> memref<640x64xf32, #tpu.memory_space<hbm>>
      %dma_start3A_40 = arith.constant 0 : i32
      %dma_start3A_41 = tpu.memref_slice %arg14[%mul3A_32, %dma_start3A_40] : memref<10240x64xf32, #tpu.memory_space<vmem_shared>> -> memref<640x64xf32, #tpu.memory_space<vmem_shared>>
      tpu.enqueue_dma source(%dma_start3A_41 : memref<640x64xf32, #tpu.memory_space<vmem_shared>>) target(%dma_start3A_39 : memref<640x64xf32, #tpu.memory_space<hbm>>) target_semaphore(%run_scoped3A : memref<!tpu.dma_semaphore, #tpu.memory_space<semaphore_mem>>)
      %dma_wait3A = arith.constant 0 : i32
      %dma_wait3A_42 = arith.constant 0 : i32
      %dma_wait3A_43 = tpu.memref_slice %arg6[%arg0, %dma_wait3A, %dma_wait3A_42] : memref<2x10240x64xf32, #tpu.memory_space<hbm>> -> memref<1x10240x64xf32, #tpu.memory_space<hbm>>
      %dma_wait3A_44 = tpu.memref_squeeze %dma_wait3A_43 : memref<1x10240x64xf32, #tpu.memory_space<hbm>> -> memref<10240x64xf32, #tpu.memory_space<hbm>>
      %dma_wait3A_45 = arith.constant 0 : i32
      %dma_wait3A_46 = tpu.memref_slice %dma_wait3A_44[%mul3A_34, %dma_wait3A_45] : memref<10240x64xf32, #tpu.memory_space<hbm>> -> memref<640x64xf32, #tpu.memory_space<hbm>>
      %dma_wait3A_47 = arith.constant 0 : i32
      %dma_wait3A_48 = tpu.memref_slice %arg14[%mul3A_32, %dma_wait3A_47] : memref<10240x64xf32, #tpu.memory_space<vmem_shared>> -> memref<640x64xf32, #tpu.memory_space<vmem_shared>>
      tpu.wait_dma2 semaphore(%run_scoped3A : memref<!tpu.dma_semaphore, #tpu.memory_space<semaphore_mem>>) src(%dma_wait3A_48 : memref<640x64xf32, #tpu.memory_space<vmem_shared>>) dst(%dma_wait3A_46 : memref<640x64xf32, #tpu.memory_space<hbm>>)
      tpu.yield
    }) : () -> ()
    return
  }
}

#map = affine_map<(d0, d1) -> (0, 0)>
#map1 = affine_map<(d0, d1) -> (0)>
module attributes {stable_mosaic.version = 14 : i64} {
  func.func @deg_hist(%arg0: i32, %arg1: i32, %arg2: memref<32x10240xi32, #tpu.memory_space<hbm>>, %arg3: memref<10240xf32, #tpu.memory_space<hbm>>, %arg4: memref<32x10240xf32, #tpu.memory_space<hbm>>, %arg5: memref<10240xi32, #tpu.memory_space<vmem>>, %arg6: memref<10240xf32, #tpu.memory_space<vmem>>) attributes {dimension_semantics = [#tpu.dimension_semantics<core_parallel>, #tpu.dimension_semantics<subcore_parallel>], iteration_bounds = array<i64: 2, 16>, scalar_prefetch = 0 : i64, scratch_operands = 2 : i64, tpu.core_type = #tpu.core_type<sc_vector_subcore>, window_params = [{transform_indices = #map}, {transform_indices = #map1}, {transform_indices = #map}]} {
    %mul3A = arith.constant 2 : i32
    %mul3A_0 = arith.muli %arg1, %mul3A : i32
    %add3A = arith.addi %mul3A_0, %arg0 : i32
    "tpu.region"() ({
      %run_scoped3A = tpu.sem_alloc : memref<!tpu.dma_semaphore, #tpu.memory_space<semaphore_mem>>
      %dma_start3A = arith.constant 0 : i32
      %dma_start3A_7 = tpu.memref_slice %arg2[%add3A, %dma_start3A] : memref<32x10240xi32, #tpu.memory_space<hbm>> -> memref<1x10240xi32, #tpu.memory_space<hbm>>
      %dma_start3A_8 = tpu.memref_squeeze %dma_start3A_7 : memref<1x10240xi32, #tpu.memory_space<hbm>> -> memref<10240xi32, #tpu.memory_space<hbm>>
      %dma_start3A_9 = arith.constant 0 : i32
      %dma_start3A_10 = tpu.memref_slice %arg2[%add3A, %dma_start3A_9] : memref<32x10240xi32, #tpu.memory_space<hbm>> -> memref<1x10240xi32, #tpu.memory_space<hbm>>
      %dma_start3A_11 = tpu.memref_squeeze %dma_start3A_10 : memref<1x10240xi32, #tpu.memory_space<hbm>> -> memref<10240xi32, #tpu.memory_space<hbm>>
      tpu.enqueue_dma source(%dma_start3A_11 : memref<10240xi32, #tpu.memory_space<hbm>>) target(%arg5 : memref<10240xi32, #tpu.memory_space<vmem>>) target_semaphore(%run_scoped3A : memref<!tpu.dma_semaphore, #tpu.memory_space<semaphore_mem>>)
      %dma_wait3A = arith.constant 0 : i32
      %dma_wait3A_12 = tpu.memref_slice %arg2[%add3A, %dma_wait3A] : memref<32x10240xi32, #tpu.memory_space<hbm>> -> memref<1x10240xi32, #tpu.memory_space<hbm>>
      %dma_wait3A_13 = tpu.memref_squeeze %dma_wait3A_12 : memref<1x10240xi32, #tpu.memory_space<hbm>> -> memref<10240xi32, #tpu.memory_space<hbm>>
      %dma_wait3A_14 = arith.constant 0 : i32
      %dma_wait3A_15 = tpu.memref_slice %arg2[%add3A, %dma_wait3A_14] : memref<32x10240xi32, #tpu.memory_space<hbm>> -> memref<1x10240xi32, #tpu.memory_space<hbm>>
      %dma_wait3A_16 = tpu.memref_squeeze %dma_wait3A_15 : memref<1x10240xi32, #tpu.memory_space<hbm>> -> memref<10240xi32, #tpu.memory_space<hbm>>
      tpu.wait_dma2 semaphore(%run_scoped3A : memref<!tpu.dma_semaphore, #tpu.memory_space<semaphore_mem>>) src(%dma_wait3A_16 : memref<10240xi32, #tpu.memory_space<hbm>>) dst(%arg5 : memref<10240xi32, #tpu.memory_space<vmem>>)
      tpu.yield
    }) : () -> ()
    "tpu.region"() ({
      %run_scoped3A = tpu.sem_alloc : memref<!tpu.dma_semaphore, #tpu.memory_space<semaphore_mem>>
      tpu.enqueue_dma source(%arg3 : memref<10240xf32, #tpu.memory_space<hbm>>) target(%arg6 : memref<10240xf32, #tpu.memory_space<vmem>>) target_semaphore(%run_scoped3A : memref<!tpu.dma_semaphore, #tpu.memory_space<semaphore_mem>>)
      tpu.wait_dma2 semaphore(%run_scoped3A : memref<!tpu.dma_semaphore, #tpu.memory_space<semaphore_mem>>) src(%arg3 : memref<10240xf32, #tpu.memory_space<hbm>>) dst(%arg6 : memref<10240xf32, #tpu.memory_space<vmem>>)
      tpu.yield
    }) : () -> ()
    %broadcast_in_dim3A = arith.constant 1.000000e+00 : f32
    %broadcast_in_dim3A_1 = vector.broadcast %broadcast_in_dim3A : f32 to vector<16xf32>
    %scan3A = arith.constant 0 : i32
    %scan3A_2 = arith.constant 0 : i32
    %scan3A_3 = arith.constant 80 : i32
    %scan3A_4 = arith.addi %scan3A_2, %scan3A_3 : i32
    %scan3A_5 = arith.constant 1 : i32
    scf.for %scan3A_7 = %scan3A_2 to %scan3A_4 step %scan3A_5  : i32 {
      %mul3A_8 = arith.constant 8 : i32
      %mul3A_9 = arith.muli %scan3A_7, %mul3A_8 : i32
      %add3A_10 = arith.constant 0 : i32
      %add3A_11 = arith.addi %mul3A_9, %add3A_10 : i32
      %mul3A_12 = arith.constant 16 : i32
      %mul3A_13 = arith.muli %add3A_11, %mul3A_12 : i32
      %get3A = arith.index_cast %mul3A_13 : i32 to index
      %get3A_14 = tpu.vector_load %arg5[%get3A] {strides = array<i32>} : memref<10240xi32, #tpu.memory_space<vmem>>, vector<16xi32>,
      tpu.vector_store_idx %arg6[%get3A_14], %broadcast_in_dim3A_1 {add = true} : memref<10240xf32, #tpu.memory_space<vmem>>[vector<16xi32>], vector<16xf32>,
      %mul3A_15 = arith.constant 8 : i32
      %mul3A_16 = arith.muli %scan3A_7, %mul3A_15 : i32
      %add3A_17 = arith.constant 1 : i32
      %add3A_18 = arith.addi %mul3A_16, %add3A_17 : i32
      %mul3A_19 = arith.constant 16 : i32
      %mul3A_20 = arith.muli %add3A_18, %mul3A_19 : i32
      %get3A_21 = arith.index_cast %mul3A_20 : i32 to index
      %get3A_22 = tpu.vector_load %arg5[%get3A_21] {strides = array<i32>} : memref<10240xi32, #tpu.memory_space<vmem>>, vector<16xi32>,
      tpu.vector_store_idx %arg6[%get3A_22], %broadcast_in_dim3A_1 {add = true} : memref<10240xf32, #tpu.memory_space<vmem>>[vector<16xi32>], vector<16xf32>,
      %mul3A_23 = arith.constant 8 : i32
      %mul3A_24 = arith.muli %scan3A_7, %mul3A_23 : i32
      %add3A_25 = arith.constant 2 : i32
      %add3A_26 = arith.addi %mul3A_24, %add3A_25 : i32
      %mul3A_27 = arith.constant 16 : i32
      %mul3A_28 = arith.muli %add3A_26, %mul3A_27 : i32
      %get3A_29 = arith.index_cast %mul3A_28 : i32 to index
      %get3A_30 = tpu.vector_load %arg5[%get3A_29] {strides = array<i32>} : memref<10240xi32, #tpu.memory_space<vmem>>, vector<16xi32>,
      tpu.vector_store_idx %arg6[%get3A_30], %broadcast_in_dim3A_1 {add = true} : memref<10240xf32, #tpu.memory_space<vmem>>[vector<16xi32>], vector<16xf32>,
      %mul3A_31 = arith.constant 8 : i32
      %mul3A_32 = arith.muli %scan3A_7, %mul3A_31 : i32
      %add3A_33 = arith.constant 3 : i32
      %add3A_34 = arith.addi %mul3A_32, %add3A_33 : i32
      %mul3A_35 = arith.constant 16 : i32
      %mul3A_36 = arith.muli %add3A_34, %mul3A_35 : i32
      %get3A_37 = arith.index_cast %mul3A_36 : i32 to index
      %get3A_38 = tpu.vector_load %arg5[%get3A_37] {strides = array<i32>} : memref<10240xi32, #tpu.memory_space<vmem>>, vector<16xi32>,
      tpu.vector_store_idx %arg6[%get3A_38], %broadcast_in_dim3A_1 {add = true} : memref<10240xf32, #tpu.memory_space<vmem>>[vector<16xi32>], vector<16xf32>,
      %mul3A_39 = arith.constant 8 : i32
      %mul3A_40 = arith.muli %scan3A_7, %mul3A_39 : i32
      %add3A_41 = arith.constant 4 : i32
      %add3A_42 = arith.addi %mul3A_40, %add3A_41 : i32
      %mul3A_43 = arith.constant 16 : i32
      %mul3A_44 = arith.muli %add3A_42, %mul3A_43 : i32
      %get3A_45 = arith.index_cast %mul3A_44 : i32 to index
      %get3A_46 = tpu.vector_load %arg5[%get3A_45] {strides = array<i32>} : memref<10240xi32, #tpu.memory_space<vmem>>, vector<16xi32>,
      tpu.vector_store_idx %arg6[%get3A_46], %broadcast_in_dim3A_1 {add = true} : memref<10240xf32, #tpu.memory_space<vmem>>[vector<16xi32>], vector<16xf32>,
      %mul3A_47 = arith.constant 8 : i32
      %mul3A_48 = arith.muli %scan3A_7, %mul3A_47 : i32
      %add3A_49 = arith.constant 5 : i32
      %add3A_50 = arith.addi %mul3A_48, %add3A_49 : i32
      %mul3A_51 = arith.constant 16 : i32
      %mul3A_52 = arith.muli %add3A_50, %mul3A_51 : i32
      %get3A_53 = arith.index_cast %mul3A_52 : i32 to index
      %get3A_54 = tpu.vector_load %arg5[%get3A_53] {strides = array<i32>} : memref<10240xi32, #tpu.memory_space<vmem>>, vector<16xi32>,
      tpu.vector_store_idx %arg6[%get3A_54], %broadcast_in_dim3A_1 {add = true} : memref<10240xf32, #tpu.memory_space<vmem>>[vector<16xi32>], vector<16xf32>,
      %mul3A_55 = arith.constant 8 : i32
      %mul3A_56 = arith.muli %scan3A_7, %mul3A_55 : i32
      %add3A_57 = arith.constant 6 : i32
      %add3A_58 = arith.addi %mul3A_56, %add3A_57 : i32
      %mul3A_59 = arith.constant 16 : i32
      %mul3A_60 = arith.muli %add3A_58, %mul3A_59 : i32
      %get3A_61 = arith.index_cast %mul3A_60 : i32 to index
      %get3A_62 = tpu.vector_load %arg5[%get3A_61] {strides = array<i32>} : memref<10240xi32, #tpu.memory_space<vmem>>, vector<16xi32>,
      tpu.vector_store_idx %arg6[%get3A_62], %broadcast_in_dim3A_1 {add = true} : memref<10240xf32, #tpu.memory_space<vmem>>[vector<16xi32>], vector<16xf32>,
      %mul3A_63 = arith.constant 8 : i32
      %mul3A_64 = arith.muli %scan3A_7, %mul3A_63 : i32
      %add3A_65 = arith.constant 7 : i32
      %add3A_66 = arith.addi %mul3A_64, %add3A_65 : i32
      %mul3A_67 = arith.constant 16 : i32
      %mul3A_68 = arith.muli %add3A_66, %mul3A_67 : i32
      %get3A_69 = arith.index_cast %mul3A_68 : i32 to index
      %get3A_70 = tpu.vector_load %arg5[%get3A_69] {strides = array<i32>} : memref<10240xi32, #tpu.memory_space<vmem>>, vector<16xi32>,
      tpu.vector_store_idx %arg6[%get3A_70], %broadcast_in_dim3A_1 {add = true} : memref<10240xf32, #tpu.memory_space<vmem>>[vector<16xi32>], vector<16xf32>,
    }
    %scan3A_6 = arith.constant 80 : i32
    "tpu.region"() ({
      %run_scoped3A = tpu.sem_alloc : memref<!tpu.dma_semaphore, #tpu.memory_space<semaphore_mem>>
      %dma_start3A = arith.constant 0 : i32
      %dma_start3A_7 = tpu.memref_slice %arg4[%add3A, %dma_start3A] : memref<32x10240xf32, #tpu.memory_space<hbm>> -> memref<1x10240xf32, #tpu.memory_space<hbm>>
      %dma_start3A_8 = tpu.memref_squeeze %dma_start3A_7 : memref<1x10240xf32, #tpu.memory_space<hbm>> -> memref<10240xf32, #tpu.memory_space<hbm>>
      %dma_start3A_9 = arith.constant 0 : i32
      %dma_start3A_10 = tpu.memref_slice %arg4[%add3A, %dma_start3A_9] : memref<32x10240xf32, #tpu.memory_space<hbm>> -> memref<1x10240xf32, #tpu.memory_space<hbm>>
      %dma_start3A_11 = tpu.memref_squeeze %dma_start3A_10 : memref<1x10240xf32, #tpu.memory_space<hbm>> -> memref<10240xf32, #tpu.memory_space<hbm>>
      tpu.enqueue_dma source(%arg6 : memref<10240xf32, #tpu.memory_space<vmem>>) target(%dma_start3A_11 : memref<10240xf32, #tpu.memory_space<hbm>>) target_semaphore(%run_scoped3A : memref<!tpu.dma_semaphore, #tpu.memory_space<semaphore_mem>>)
      %dma_wait3A = arith.constant 0 : i32
      %dma_wait3A_12 = tpu.memref_slice %arg4[%add3A, %dma_wait3A] : memref<32x10240xf32, #tpu.memory_space<hbm>> -> memref<1x10240xf32, #tpu.memory_space<hbm>>
      %dma_wait3A_13 = tpu.memref_squeeze %dma_wait3A_12 : memref<1x10240xf32, #tpu.memory_space<hbm>> -> memref<10240xf32, #tpu.memory_space<hbm>>
      %dma_wait3A_14 = arith.constant 0 : i32
      %dma_wait3A_15 = tpu.memref_slice %arg4[%add3A, %dma_wait3A_14] : memref<32x10240xf32, #tpu.memory_space<hbm>> -> memref<1x10240xf32, #tpu.memory_space<hbm>>
      %dma_wait3A_16 = tpu.memref_squeeze %dma_wait3A_15 : memref<1x10240xf32, #tpu.memory_space<hbm>> -> memref<10240xf32, #tpu.memory_space<hbm>>
      tpu.wait_dma2 semaphore(%run_scoped3A : memref<!tpu.dma_semaphore, #tpu.memory_space<semaphore_mem>>) src(%arg6 : memref<10240xf32, #tpu.memory_space<vmem>>) dst(%dma_wait3A_16 : memref<10240xf32, #tpu.memory_space<hbm>>)
      tpu.yield
    }) : () -> ()
    return
  }
}

module attributes {stable_mosaic.version = 14 : i64} {
  func.func @g_body(%arg0: i32, %arg1: memref<512x128xf32, #tpu.memory_space<vmem>>, %arg2: memref<128x128xf32, #tpu.memory_space<vmem>>, %arg3: memref<32x512xf32, #tpu.memory_space<vmem>>, %arg4: memref<2x512x64xf32, #tpu.memory_space<vmem>>, %arg5: memref<512x1xf32, #tpu.memory_space<vmem>>) attributes {dimension_semantics = [#tpu.dimension_semantics<arbitrary>], iteration_bounds = array<i64: 20>, scalar_prefetch = 0 : i64, scratch_operands = 0 : i64, tpu.core_type = #tpu.core_type<tc>, window_params = [{transform_indices = @transform_0, window_bounds = array<i64: 512, 128>}, {pipeline_mode = #tpu.pipeline_mode<synchronous>, transform_indices = @transform_1, window_bounds = array<i64: 128, 128>}, {transform_indices = @transform_2, window_bounds = array<i64: 32, 512>}, {transform_indices = @transform_3, window_bounds = array<i64: 2, 512, 64>}, {transform_indices = @transform_4, window_bounds = array<i64: 512, 1>}]} {
    %get3A = arith.constant 0 : index
    %get3A_0 = arith.constant 0 : index
    %get3A_1 = vector.load %arg3[%get3A, %get3A_0] : memref<32x512xf32, #tpu.memory_space<vmem>>, vector<32x512xf32>
    %reduce_sum3A = arith.constant dense<0.000000e+00> : vector<512xf32>
    %reduce_sum3A_2 = vector.multi_reduction <add>, %get3A_1, %reduce_sum3A [0] : vector<32x512xf32> to vector<512xf32>
    %add3A = arith.constant 1.000000e+00 : f32
    %add3A_3 = vector.broadcast %add3A : f32 to vector<512xf32>
    %add3A_4 = arith.addf %reduce_sum3A_2, %add3A_3 : vector<512xf32>
    %rsqrt3A = math.rsqrt %add3A_4 : vector<512xf32>
    %get3A_5 = arith.constant 0 : index
    %get3A_6 = arith.constant 0 : index
    %get3A_7 = vector.load %arg1[%get3A_5, %get3A_6] : memref<512x128xf32, #tpu.memory_space<vmem>>, vector<512x128xf32>
    %get3A_8 = arith.constant 0 : index
    %get3A_9 = arith.constant 0 : index
    %get3A_10 = vector.load %arg2[%get3A_8, %get3A_9] : memref<128x128xf32, #tpu.memory_space<vmem>>, vector<128x128xf32>
    %dot_general3A = arith.constant dense<0.000000e+00> : vector<512x128xf32>
    %dot_general3A_11 = tpu.matmul %get3A_7, %get3A_10, %dot_general3A {dimension_numbers = #tpu.dot_dimension_numbers<[1], [0], [0], [1], [0, 0, 1, 1], [], []>, transpose_lhs_hint = false} : vector<512x128xf32>, vector<128x128xf32>, vector<512x128xf32> -> vector<512x128xf32>
    %broadcast_in_dim3A = vector.shape_cast %rsqrt3A : vector<512xf32> to vector<512x1xf32>
    %mul3A = vector.broadcast %broadcast_in_dim3A : vector<512x1xf32> to vector<512x128xf32>
    %mul3A_12 = arith.mulf %dot_general3A_11, %mul3A : vector<512x128xf32>
    %slice3A = vector.extract_strided_slice %mul3A_12 {offsets = [0, 0], sizes = [512, 64], strides = [1, 1]} : vector<512x128xf32> to vector<512x64xf32>
    %swap3A = arith.constant 0 : index
    %swap3A_13 = arith.constant 0 : index
    %swap3A_14 = arith.constant 0 : index
    %swap3A_15 = vector.load %arg4[%swap3A, %swap3A_13, %swap3A_14] : memref<2x512x64xf32, #tpu.memory_space<vmem>>, vector<1x512x64xf32>
    %swap3A_16 = vector.shape_cast %swap3A_15 : vector<1x512x64xf32> to vector<512x64xf32>
    %swap3A_17 = vector.shape_cast %slice3A : vector<512x64xf32> to vector<1x512x64xf32>
    tpu.vector_store %arg4[%swap3A, %swap3A_13, %swap3A_14], %swap3A_17 {strides = array<i32>} : memref<2x512x64xf32, #tpu.memory_space<vmem>>, vector<1x512x64xf32>,
    %slice3A_18 = vector.extract_strided_slice %mul3A_12 {offsets = [0, 64], sizes = [512, 64], strides = [1, 1]} : vector<512x128xf32> to vector<512x64xf32>
    %swap3A_19 = arith.constant 1 : index
    %swap3A_20 = arith.constant 0 : index
    %swap3A_21 = arith.constant 0 : index
    %swap3A_22 = vector.load %arg4[%swap3A_19, %swap3A_20, %swap3A_21] : memref<2x512x64xf32, #tpu.memory_space<vmem>>, vector<1x512x64xf32>
    %swap3A_23 = vector.shape_cast %swap3A_22 : vector<1x512x64xf32> to vector<512x64xf32>
    %swap3A_24 = vector.shape_cast %slice3A_18 : vector<512x64xf32> to vector<1x512x64xf32>
    tpu.vector_store %arg4[%swap3A_19, %swap3A_20, %swap3A_21], %swap3A_24 {strides = array<i32>} : memref<2x512x64xf32, #tpu.memory_space<vmem>>, vector<1x512x64xf32>,
    %broadcast_in_dim3A_25 = vector.shape_cast %rsqrt3A : vector<512xf32> to vector<512x1xf32>
    %swap3A_26 = arith.constant 0 : index
    %swap3A_27 = arith.constant 0 : index
    %swap3A_28 = vector.load %arg5[%swap3A_26, %swap3A_27] : memref<512x1xf32, #tpu.memory_space<vmem>>, vector<512x1xf32>
    tpu.vector_store %arg5[%swap3A_26, %swap3A_27], %broadcast_in_dim3A_25 {strides = array<i32>} : memref<512x1xf32, #tpu.memory_space<vmem>>, vector<512x1xf32>,
    return
  }
  func.func @transform_0(%arg0: i32) -> (i32, i32) {
    %c0_i32 = arith.constant 0 : i32
    %c0_i32_0 = arith.constant 0 : i32
    return %arg0, %c0_i32 : i32, i32
  }
  func.func @transform_1(%arg0: i32) -> (i32, i32) {
    %c0_i32 = arith.constant 0 : i32
    %c0_i32_0 = arith.constant 0 : i32
    %c0_i32_1 = arith.constant 0 : i32
    return %c0_i32, %c0_i32_0 : i32, i32
  }
  func.func @transform_2(%arg0: i32) -> (i32, i32) {
    %c0_i32 = arith.constant 0 : i32
    %c0_i32_0 = arith.constant 0 : i32
    return %c0_i32, %arg0 : i32, i32
  }
  func.func @transform_3(%arg0: i32) -> (i32, i32, i32) {
    %c0_i32 = arith.constant 0 : i32
    %c0_i32_0 = arith.constant 0 : i32
    %c0_i32_1 = arith.constant 0 : i32
    return %c0_i32, %arg0, %c0_i32_0 : i32, i32, i32
  }
  func.func @transform_4(%arg0: i32) -> (i32, i32) {
    %c0_i32 = arith.constant 0 : i32
    %c0_i32_0 = arith.constant 0 : i32
    return %arg0, %c0_i32 : i32, i32
  }
}

module attributes {stable_mosaic.version = 14 : i64} {
  func.func @fin_body(%arg0: i32, %arg1: memref<2x400x64xf32, #tpu.memory_space<vmem>>, %arg2: memref<2x400x64xf32, #tpu.memory_space<vmem>>, %arg3: memref<400x1xf32, #tpu.memory_space<vmem>>, %arg4: memref<1x128xf32, #tpu.memory_space<vmem>>, %arg5: memref<400x128xf32, #tpu.memory_space<vmem>>) attributes {dimension_semantics = [#tpu.dimension_semantics<arbitrary>], iteration_bounds = array<i64: 25>, scalar_prefetch = 0 : i64, scratch_operands = 0 : i64, tpu.core_type = #tpu.core_type<tc>, window_params = [{transform_indices = @transform_0, window_bounds = array<i64: 2, 400, 64>}, {transform_indices = @transform_1, window_bounds = array<i64: 2, 400, 64>}, {transform_indices = @transform_2, window_bounds = array<i64: 400, 1>}, {pipeline_mode = #tpu.pipeline_mode<synchronous>, transform_indices = @transform_3, window_bounds = array<i64: 1, 128>}, {transform_indices = @transform_4, window_bounds = array<i64: 400, 128>}]} {
    %get3A = arith.constant 0 : index
    %get3A_0 = arith.constant 0 : index
    %get3A_1 = vector.load %arg3[%get3A, %get3A_0] : memref<400x1xf32, #tpu.memory_space<vmem>>, vector<400x1xf32>
    %get3A_2 = arith.constant 0 : index
    %get3A_3 = arith.constant 0 : index
    %get3A_4 = arith.constant 0 : index
    %get3A_5 = vector.load %arg1[%get3A_2, %get3A_3, %get3A_4] : memref<2x400x64xf32, #tpu.memory_space<vmem>>, vector<1x400x64xf32>
    %get3A_6 = vector.shape_cast %get3A_5 : vector<1x400x64xf32> to vector<400x64xf32>
    %get3A_7 = arith.constant 0 : index
    %get3A_8 = arith.constant 0 : index
    %get3A_9 = arith.constant 0 : index
    %get3A_10 = vector.load %arg2[%get3A_7, %get3A_8, %get3A_9] : memref<2x400x64xf32, #tpu.memory_space<vmem>>, vector<1x400x64xf32>
    %get3A_11 = vector.shape_cast %get3A_10 : vector<1x400x64xf32> to vector<400x64xf32>
    %add3A = arith.addf %get3A_6, %get3A_11 : vector<400x64xf32>
    %mul3A = vector.broadcast %get3A_1 : vector<400x1xf32> to vector<400x64xf32>
    %mul3A_12 = arith.mulf %add3A, %mul3A : vector<400x64xf32>
    %get3A_13 = arith.constant 1 : index
    %get3A_14 = arith.constant 0 : index
    %get3A_15 = arith.constant 0 : index
    %get3A_16 = vector.load %arg1[%get3A_13, %get3A_14, %get3A_15] : memref<2x400x64xf32, #tpu.memory_space<vmem>>, vector<1x400x64xf32>
    %get3A_17 = vector.shape_cast %get3A_16 : vector<1x400x64xf32> to vector<400x64xf32>
    %get3A_18 = arith.constant 1 : index
    %get3A_19 = arith.constant 0 : index
    %get3A_20 = arith.constant 0 : index
    %get3A_21 = vector.load %arg2[%get3A_18, %get3A_19, %get3A_20] : memref<2x400x64xf32, #tpu.memory_space<vmem>>, vector<1x400x64xf32>
    %get3A_22 = vector.shape_cast %get3A_21 : vector<1x400x64xf32> to vector<400x64xf32>
    %add3A_23 = arith.addf %get3A_17, %get3A_22 : vector<400x64xf32>
    %mul3A_24 = vector.broadcast %get3A_1 : vector<400x1xf32> to vector<400x64xf32>
    %mul3A_25 = arith.mulf %add3A_23, %mul3A_24 : vector<400x64xf32>
    %concatenate3A = tpu.concatenate %mul3A_12, %mul3A_25 in 1 : vector<400x64xf32>, vector<400x64xf32> -> vector<400x128xf32>
    %get3A_26 = arith.constant 0 : index
    %get3A_27 = arith.constant 0 : index
    %get3A_28 = vector.load %arg4[%get3A_26, %get3A_27] : memref<1x128xf32, #tpu.memory_space<vmem>>, vector<1x128xf32>
    %add3A_29 = vector.broadcast %get3A_28 : vector<1x128xf32> to vector<400x128xf32>
    %add3A_30 = arith.addf %concatenate3A, %add3A_29 : vector<400x128xf32>
    %max3A = arith.constant 0.000000e+00 : f32
    %max3A_31 = vector.broadcast %max3A : f32 to vector<400x128xf32>
    %max3A_32 = arith.maximumf %add3A_30, %max3A_31 : vector<400x128xf32>
    %swap3A = arith.constant 0 : index
    %swap3A_33 = arith.constant 0 : index
    %swap3A_34 = vector.load %arg5[%swap3A, %swap3A_33] : memref<400x128xf32, #tpu.memory_space<vmem>>, vector<400x128xf32>
    tpu.vector_store %arg5[%swap3A, %swap3A_33], %max3A_32 {strides = array<i32>} : memref<400x128xf32, #tpu.memory_space<vmem>>, vector<400x128xf32>,
    return
  }
  func.func @transform_0(%arg0: i32) -> (i32, i32, i32) {
    %c0_i32 = arith.constant 0 : i32
    %c0_i32_0 = arith.constant 0 : i32
    %c0_i32_1 = arith.constant 0 : i32
    return %c0_i32, %arg0, %c0_i32_0 : i32, i32, i32
  }
  func.func @transform_1(%arg0: i32) -> (i32, i32, i32) {
    %c0_i32 = arith.constant 0 : i32
    %c0_i32_0 = arith.constant 0 : i32
    %c0_i32_1 = arith.constant 0 : i32
    return %c0_i32, %arg0, %c0_i32_0 : i32, i32, i32
  }
  func.func @transform_2(%arg0: i32) -> (i32, i32) {
    %c0_i32 = arith.constant 0 : i32
    %c0_i32_0 = arith.constant 0 : i32
    return %arg0, %c0_i32 : i32, i32
  }
  func.func @transform_3(%arg0: i32) -> (i32, i32) {
    %c0_i32 = arith.constant 0 : i32
    %c0_i32_0 = arith.constant 0 : i32
    %c0_i32_1 = arith.constant 0 : i32
    return %c0_i32, %c0_i32_0 : i32, i32
  }
  func.func @transform_4(%arg0: i32) -> (i32, i32) {
    %c0_i32 = arith.constant 0 : i32
    %c0_i32_0 = arith.constant 0 : i32
    return %arg0, %c0_i32 : i32, i32
  }
}

</mosaic_0001>

<sc_bundles>
// kernel: kernel.6.cloned.1.call-start
scs
__scs_entry_jumppad:
0x0: {  	(pc) =	sbr.rel $0x88, $3  }
0x1: {  	(tag) =	ssettag $0x0;
	lr =	simm.s32 $0x1  }
0x2: {  	[smem:$0x3F9D] =	sst lr;
	_ =	strace $0xD0000000  }
0x3: {  	_ = 	snop  }
0x4: {  	_ = 	snop  }
0x5: {  	_ = 	snop  }
0x6: {  	_ = 	snop  }
0x7: {  	_ = 	snop  }
__scs_overlays_trampoline_lowered:
0x8: {  	[smem:$0x3FAC] =	sst s0  }
0x9: {  	[smem:$0x3FAD] =	sst s1  }
0xa: {  	[smem:$0x3FAE] =	sst s2  }
0xb: {  	[smem:$0x3FAF] =	sst s3  }
0xc: {  	[smem:$0x3FB0] =	sst s4  }
0xd: {  	[smem:$0x3FB1] =	sst s5  }
0xe: {  	[smem:$0x3FB2] =	sst s6  }
0xf: {  	[smem:$0x3FB3] =	sst s7  }
0x10: {  	[smem:$0x3FB4] =	sst s8  }
0x11: {  	[smem:$0x3FB5] =	sst s9;
	s0 =	simm.s32 @!p0 $0x0  }
0x12: {  	s1 =	sld [smem:$0x3F9B];
	s0 =	simm.s32 @p0 $0x1  }
0x13: {  	[smem:$0x3FB6] =	sst s0;
	s0 =	simm.s32 @!p1 $0x0  }
0x14: {  	s2 =	sld [smem:$0x3F9A];
	s0 =	simm.s32 @p1 $0x1  }
0x15: {  	[smem:$0x3FB7] =	sst s0;
	s0 =	simm.s32 @!p2 $0x0  }
0x16: {  	s3 =	sld [smem:$0x3FDB];
	s0 =	simm.s32 @p2 $0x1  }
0x17: {  	s4 =	simm.s32 $0x1BF5;
	[smem:$0x3FB9] =	sst s0  }
0x18: {  	s0 =	sld [smem:$0x3F9C];
	_ =	swait.ge [sflag:s4], $0x0  }
0x19: {  	s7 =	sld [smem:$0x3F9D]  }
0x1a: {  	s8 =	sadd.s32 $0xFFFFE003, lr  }
0x1b: {  	s9 =	sadd.s32 $0xFFFFFEF7, lr;
	s5 =	simm.s32 $0xFFFFFFFF;
	p2 =	slt.u32 s8, $0xFFFFF086  }
0x1c: {  	p1 =	slt.u32 s9, $0xF7A;
	s5 =	simm.s32 @!p2 $0x0  }
0x1d: {  	s5 =	simm.s32 @p1 $0x1;
	p0 =	seq.s32 s7, s2  }
0x1e: {  	s7 =	smul.u32 @!p0 $0xF7A, s2;
	p2 =	seq.s32 @!p0 s5, $0x0  }
0x1f: {  	s9 =	smul.u32 $0xF7A, s1;
	s8 =	simm.s32 @!p0 $0x1BF5;
	p2 =	por !p2, p0  }
0x20: {  	[sflag:s8] =	ssyncset.s32 @!p0 $0xFFFFF086;
	s6 =	sadd.s32 @!p0 s3, s7;
	s7 =	simm.s32 @!p0 $0x108  }
0x21: {  	s3 =	sadd.s32 s3, s9;
	s6 =	sadd.s32 @!p0 $0x88, s6;
	s7 =	simm.s32 @p2 $0x1082  }
0x22: {  	[simem:s7], [sflag:s8] =	dma.local @!p0 [hbm:s6], $0xF7A  }
0x23: {  	s9 =	sor.u32 $0xD0000000, s2;
	s6 =	simm.s32 $0x108;
	_ =	swait.ge @!p0 [sflag:s8], $0x0  }
0x24: {  	s3 =	sadd.s32 $0x88, s3;
	s6 =	simm.s32 @!p1 $0x1082;
	[sflag:s4] =	ssyncset.s32 $0xFFFFF086  }
0x25: {  	[simem:s6], [sflag:s4] =	dma.local [hbm:s3], $0xF7A  }
0x26: {  	[smem:$0x3F9D] =	sst s1;
	(tag) =	ssettag s2;
	_ =	strace s9  }
0x27: {  	s1 =	sld [smem:$0x3FAD]  }
0x28: {  	s2 =	sld [smem:$0x3FAE]  }
0x29: {  	s4 =	sld [smem:$0x3FB0]  }
0x2a: {  	p0 =	seq.s32 s5, $0x0;
	s5 =	sld [smem:$0x3FB1]  }
0x2b: {  	s6 =	sld [smem:$0x3FB2]  }
0x2c: {  	s7 =	sld [smem:$0x3FB3]  }
0x2d: {  	s3 =	simm.s32 $0x108;
	s8 =	sld [smem:$0x3FB4]  }
0x2e: {  	s3 =	simm.s32 @!p0 $0x1082;
	s9 =	sld [smem:$0x3FB5]  }
0x2f: {  	lr =	sadd.s32 s0, s3;
	s0 =	sld [smem:$0x3FAC]  }
0x30: {  	s3 =	sld [smem:$0x3FAF]  }
0x31: {  	[smem:$0x3FB8] =	sst s10  }
0x32: {  	s10 =	sld [smem:$0x3FB6];
	_ =	sdelay $0x3  }
0x33: {  	p0 =	seq.s32 s10, $0x1;
	s10 =	sld [smem:$0x3FB8];
	_ =	sdelay $0x3  }
0x34: {  	[smem:$0x3FB8] =	sst s10  }
0x35: {  	s10 =	sld [smem:$0x3FB7];
	_ =	sdelay $0x3  }
0x36: {  	p1 =	seq.s32 s10, $0x1;
	s10 =	sld [smem:$0x3FB8];
	_ =	sdelay $0x3  }
0x37: {  	[smem:$0x3FB8] =	sst s10  }
0x38: {  	s10 =	sld [smem:$0x3FB9]  }
0x39: {  	_ = 	snop;
	(pc) =	sbr.ind lr, $3  }
0x3a: {  	_ = 	snop  }
0x3b: {  	_ = 	snop  }
0x3c: {  	p2 =	seq.s32 s10, $0x1;
	s10 =	sld [smem:$0x3FB8]  }
0x3d: {  	_ =	shalt  }
0x3e: {  	_ =	shalt  }
0x3f: {  	_ =	shalt  }
0x40: {  	_ =	shalt  }
0x41: {  	_ =	shalt  }
0x42: {  	_ =	shalt  }
0x43: {  	_ =	shalt  }
0x44: {  	_ =	shalt  }
0x45: {  	_ =	shalt  }
0x46: {  	_ =	shalt  }
0x47: {  	_ =	shalt  }
0x48: {  	_ =	shalt  }
0x49: {  	_ =	shalt  }
0x4a: {  	_ =	shalt  }
0x4b: {  	_ =	shalt  }
0x4c: {  	_ =	shalt  }
0x4d: {  	_ =	shalt  }
0x4e: {  	_ =	shalt  }
0x4f: {  	_ =	shalt  }
0x50: {  	_ =	shalt  }
0x51: {  	_ =	shalt  }
0x52: {  	_ =	shalt  }
0x53: {  	_ =	shalt  }
0x54: {  	_ =	shalt  }
0x55: {  	_ =	shalt  }
0x56: {  	_ =	shalt  }
0x57: {  	_ =	shalt  }
0x58: {  	_ =	shalt  }
0x59: {  	_ =	shalt  }
0x5a: {  	_ =	shalt  }
0x5b: {  	_ =	shalt  }
0x5c: {  	_ =	shalt  }
0x5d: {  	_ =	shalt  }
0x5e: {  	_ =	shalt  }
0x5f: {  	_ =	shalt  }
0x60: {  	_ =	shalt  }
0x61: {  	_ =	shalt  }
0x62: {  	_ =	shalt  }
0x63: {  	_ =	shalt  }
0x64: {  	_ =	shalt  }
0x65: {  	_ =	shalt  }
0x66: {  	_ =	shalt  }
0x67: {  	_ =	shalt  }
0x68: {  	_ =	shalt  }
0x69: {  	_ =	shalt  }
0x6a: {  	_ =	shalt  }
0x6b: {  	_ =	shalt  }
0x6c: {  	_ =	shalt  }
0x6d: {  	_ =	shalt  }
0x6e: {  	_ =	shalt  }
0x6f: {  	_ =	shalt  }
0x70: {  	_ =	shalt  }
0x71: {  	_ =	shalt  }
0x72: {  	_ =	shalt  }
0x73: {  	_ =	shalt  }
0x74: {  	_ =	shalt  }
0x75: {  	_ =	shalt  }
0x76: {  	_ =	shalt  }
0x77: {  	_ =	shalt  }
0x78: {  	_ =	shalt  }
0x79: {  	_ =	shalt  }
0x7a: {  	_ =	shalt  }
0x7b: {  	_ =	shalt  }
0x7c: {  	_ =	shalt  }
0x7d: {  	_ =	shalt  }
0x7e: {  	_ =	shalt  }
0x7f: {  	_ =	shalt  }
0x80: {  	_ =	shalt  }
0x81: {  	_ =	shalt  }
0x82: {  	_ =	shalt  }
0x83: {  	_ =	shalt  }
0x84: {  	_ =	shalt  }
0x85: {  	_ =	shalt  }
0x86: {  	_ =	shalt  }
0x87: {  	_ =	shalt  }
.Lfunc_end0:
.L_simem_size_0:
called_computation_lowered:
.L_overlay_start_0:
0x88: {  	s2 =	sld [smem:$0x3FD9]  }
0x89: {  	s3 =	sld [smem:$0x3FFE];
	_ =	sdelay $0x1  }
0x8a: {  	s1 =	srdreg.scid  }
0x8b: {  	s0 =	sand.u32 $0x1, s1  }
0x8c: {  	s17 =	sshll.u32 s0, $0xA;
	s2 =	sadd.s32 s3, s2  }
0x8d: {  	s2 =	sadd.s32 s2, s17  }
0x8e: {  	[smem:$0x3FC4] =	sst s2  }
0x8f: {  	_ = 	snop  }
0x90: {  	s2 =	sld [smem:$0x3FD0];
	(tm) =	ssettm $0x1  }
0x91: {  	s18 =	sld [smem:$0x3FFB];
	_ =	sdelay $0x3  }
0x92: {  	_ =	strace s18  }
0x93: {  	s3 =	sld [smem:$0x3FFC];
	_ =	sdelay $0x3  }
0x94: {  	_ =	strace s3  }
0x95: {  	s3 =	sld [smem:$0x3FFD];
	_ =	sdelay $0x3  }
0x96: {  	_ =	strace s3  }
0x97: {  	_ =	strace $0x8FFFFFFF  }
0x98: {  	s19 =	sld [smem:$0x3FDB];
	_ =	sdelay $0x1  }
0x99: {  	s4 =	simm.s32 $_scs_section_size  }
0x9a: {  	s5 =	simm.s32 $_size__tile_overlayer_lowered;
	s6 =	simm.s32 $_tile_overlayer_lowered  }
0x9b: {  	s22 =	simm.s32 $0x1BFF;
	s21 =	sshll.u32 s6, $0x1;
	s3 =	sadd.s32 s4, s19  }
0x9c: {  	s7 =	simm.s32 $0x0;
	s20 =	sshll.u32 s5, $0x1;
	s5 =	sadd.s32 s21, s3  }
0x9d: {  	[timem:s7], [sflag:s22] =	dma.local [hbm:s5], s20  }
0x9e: {  	_ =	swait.ge [sflag:s22], s20  }
0x9f: {  	s4 =	ssub.s32 $0x0, s20;
	[sflag:s22] =	ssyncset.done $0x0  }
0xa0: {  	[sflag:s22] =	ssyncadd.s32 s4;
	_ =	sdelay $0x1  }
0xa1: {  	s23 =	simm.s32 $0x1B8B  }
0xa2: {  	_ =	swait.ge [sflag:s23], $0x1  }
0xa3: {  	[sflag:s23] =	ssyncset.done $0x0  }
0xa4: {  	s25 =	simm.s32 $0x1B8E;
	s24 =	sld [smem:$0x3FFE];
	[sflag:s23] =	ssyncadd.s32 $0xFFFFFFFF  }
0xa5: {  	s26 =	simm.s32 $execute0_lowered;
	[smem:$0x3FD2] =	sst s25  }
0xa6: {  	s5 =	sshll.u32 s26, $0x1;
	_ =	strace $0x80000046;
	[dreg:$0x1] =	wrdreg $0xFFFFFFFF  }
0xa7: {  	s28 =	simm.s32 $_size_execute0_lowered;
	s3 =	sadd.s32 s3, s5;
	[dreg:$0x0] =	wrdreg $0x0  }
0xa8: {  	s5 =	sshll.u32 s28, $0x1;
	[dreg:$0x2] =	wrdreg s3  }
0xa9: {  	[dreg:$0x3] =	wrdreg s5  }
0xaa: {  	[dreg:$0x4] =	wrdreg $0xC0  }
0xab: {  	_ =	task [dreg:s7], $0x5FFFF  }
0xac: {  	[dreg:$0x1] =	wrdreg $0xFFFFFFFF  }
0xad: {  	[dreg:$0x0] =	wrdreg $0x60  }
0xae: {  	[dreg:$0x2] =	wrdreg s2  }
0xaf: {  	[dreg:$0x3] =	wrdreg s24  }
0xb0: {  	[dreg:$0x4] =	wrdreg $0x9  }
0xb1: {  	_ =	task.clear_ibuf [dreg:s7], $0x5FFFF;
	_ =	strace $0x90000046  }
0xb2: {  	s29 =	simm.s32 $0x9;
	_ =	strace $0x80000048  }
0xb3: {  	_ =	swait.ge [sflag:s29], $0x1  }
0xb4: {  	[sflag:s29] =	ssyncadd.s32 $0xFFFFFFFF  }
0xb5: {  	_ =	strace $0x90000048  }
0xb6: {  	_ =	sfence  }
0xb7: {  	s30 =	sld [smem:$0x0];
	_ =	sdelay $0x2  }
0xb8: {  	s31 =	sshll.u32 s1, $0xD;
	s1 =	sshrl.u32 s1, $0x2  }
0xb9: {  	s3 =	sand.u32 $0x4000, s31;
	s1 =	sadd.s32 s1, s30  }
0xba: {  	s0 =	sor.u32 s3, s0;
	s1 =	sshll.u32 s1, $0x11  }
0xbb: {  	s0 =	sor.u32 s1, s0  }
0xbc: {  	s0 =	sadd.s32 $0x8F2B, s0  }
0xbd: {  	[sflag:s0] =	ssyncadd.remote.s32 $0x1  }
0xbe: {  	_ =	sfence.sel $0xFFFF  }
0xbf: {  	[dreg:$0x0] =	wrdreg $0xFFFFFFFF;
	(pc) =	sbr.abs _section_cstart, $3  }
0xc0: {  	[dreg:$0x1] =	wrdreg $0xFFFFFFFF  }
0xc1: {  	_ =	task.clear_ibuf [dreg:s7], $0x2FFFF;
	_ =	strace $0x9FFFFFFF  }
0xc2: {  	(tm) =	ssettm $0x7FFFFFFF  }
0xc3: {  	_ =	shalt  }
tec
execute0_lowered:
.L_overlay_start_1:
0x0: {  	(tag) =	ssettag $0x1  }
0x1: {  	s4 =	rddreg [dreg:$0x0]  }
0x2: {  	s5 =	rddreg [dreg:$0x1];
	s1 =	srdreg.scid  }
0x3: {  	s0 =	stileid.u32;
	s9 =	simm.s32 $0x1;
	s10 =	simm.s32 $0x2800  }
0x4: {  	s11 =	simm.s32 $0x0;
	s3 =	sand.u32 $0x1, s1;
	s29 =	sshrl.u32 s0, $0x2  }
0x5: {  	s2 =	sshll.u32 s0, $0x8;
	s1 =	rddreg [dreg:$0x2];
	s6 =	smul.u32 $0x14000, s29  }
0x6: {  	s7 =	sshll.u32 s3, $0x7;
	s8 =	sand.u32 $0x300, s2;
	s2 =	simm.s32 $0x0  }
0x7: {  	s30 =	ssub.s32 $0x2, s3;
	s3 =	sadd.s32 $0xB400, s5;
	s7 =	sor.u32 s7, s8  }
0x8: {  	[smem:$0x7FF] =	sst s2;
	s31 =	sshrl.u32 s30, $0x1;
	s6 =	sor.u32 s6, s7  }
0x9: {  	s8 =	simm.s32 $0x400;
	_ =	strace $0x80000047;
	s6 =	sshrl.u32 s6, $0x3  }
0xa: {  	s7 =	ssub.s32 s30, s31;
	s5 =	sadd.s32 s6, s5;
	s4 =	sadd.s32 s4, s6  }
0xb: {  	v0 =	vimm.f32 $1.000000000e+00;
	s6 =	smax.u32 s7, $0x1;
	s7 =	simm.s32 $0x80;
	s5 =	sadd.s32 $0xBA00, s5  }
.LBB2_1:
0xc: {  	[tilespmem:s2], [sflag:$0x1] =	stream.strided.gather [hbm4b:s4+s7], $0x2800, s8, s7, $0x38;
	[tilespmem:$0x5000] =	vst v63  }
0xd: {  	_ =	swait.ge [sflag:s9], $0x2800  }
0xe: {  	[sflag:s9] =	ssyncset.done $0x0  }
0xf: {  	[sflag:s9] =	ssyncadd.s32 $0xFFFFD800  }
0x10: {  	[tilespmem:s10], [sflag:$0x1] =	stream.linear.gather [hbm4b:s3+s2], $0x2800, $0x38;
	[tilespmem:$0x5000] =	vst v63  }
0x11: {  	_ =	swait.ge [sflag:s9], $0x2800  }
0x12: {  	[sflag:s9] =	ssyncset.done $0x0  }
0x13: {  	s12 =	simm.s32 $0x0;
	[sflag:s9] =	ssyncadd.s32 $0xFFFFD800  }
.LBB2_2:
0x14: {  	s13 =	sshra.s32 s12, $0x2  }
0x15: {  	v1 =	vld [tilespmem:s13+$0x0];
	_ =	sdelay $0x7  }
0x16: {  	[tilespmem:v1+s10+$0x0] =	vst.idx.add.f32.msk $0xffff, v0  }
0x17: {  	v1 =	vld [tilespmem:s13+$0x10];
	_ =	sdelay $0x7  }
0x18: {  	[tilespmem:v1+s10+$0x0] =	vst.idx.add.f32.msk $0xffff, v0  }
0x19: {  	v1 =	vld [tilespmem:s13+$0x20];
	_ =	sdelay $0x7  }
0x1a: {  	[tilespmem:v1+s10+$0x0] =	vst.idx.add.f32.msk $0xffff, v0  }
0x1b: {  	v1 =	vld [tilespmem:s13+$0x30];
	_ =	sdelay $0x7  }
0x1c: {  	[tilespmem:v1+s10+$0x0] =	vst.idx.add.f32.msk $0xffff, v0  }
0x1d: {  	v1 =	vld [tilespmem:s13+$0x40];
	_ =	sdelay $0x7  }
0x1e: {  	[tilespmem:v1+s10+$0x0] =	vst.idx.add.f32.msk $0xffff, v0  }
0x1f: {  	v1 =	vld [tilespmem:s13+$0x50];
	_ =	sdelay $0x7  }
0x20: {  	[tilespmem:v1+s10+$0x0] =	vst.idx.add.f32.msk $0xffff, v0  }
0x21: {  	v1 =	vld [tilespmem:s13+$0x60];
	_ =	sdelay $0x7  }
0x22: {  	[tilespmem:v1+s10+$0x0] =	vst.idx.add.f32.msk $0xffff, v0  }
0x23: {  	v1 =	vld [tilespmem:s13+$0x70];
	_ =	sdelay $0x2  }
0x24: {  	p0 =	sne.s32 s12, $0x9E00  }
.Ltmp0:
0x25: {  	_ = 	snop;
	(pc) =	sbr.rel @p0 .LBB2_2-.Ltmp0, $2  }
0x26: {  	_ =	sdelay $0x2  }
0x27: {  	s12 =	sadd.s32 $0x200, s12;
	[tilespmem:v1+s10+$0x0] =	vst.idx.add.f32.msk $0xffff, v0  }
0x28: {  	s11 =	sadd.s32 $0x1, s11  }
0x29: {  	p0 =	sne.s32 s11, s6  }
.Ltmp1:
0x2a: {  	_ = 	snop;
	(pc) =	sbr.rel @p0 .LBB2_1-.Ltmp1, $4  }
0x2b: {  	[hbm4b:s5+s7] =	stream.strided.scatter [tilespmem:s10], [sflag:$0x1], $0x2800, s8, s7, $0x38;
	[tilespmem:$0x5000] =	vst v63  }
0x2c: {  	_ =	swait.ge [sflag:s9], $0x2800  }
0x2d: {  	[sflag:s9] =	ssyncset.done $0x0  }
0x2e: {  	[sflag:s9] =	ssyncadd.s32 $0xFFFFD800  }
0x2f: {  	_ =	sfence.sel $0x180000  }
0x30: {  	[bflag:$0x0] =	sbarrier.arrive $0xFFFF  }
0x31: {  	p0 =	sne.s32 s0, $0x0;
	_ =	strace $0x90000047  }
0x32: {  	s0 =	sadd.s32 @!p0 $0x100000, s1;
	[bflag:$0x2] =	sbarrier.arrive $0xFFFF  }
0x33: {  	[sflag:s0] =	ssyncadd.tile.s32 @!p0 $0x1;
	_ =	shalt  }
.Lfunc_end2:
_tile_overlayer_lowered:
.L_overlay_start_2:
0x34: {  	(tag) =	ssettag $0x2  }
0x35: {  	s0 =	rddreg [dreg:$0x0];
	s2 =	stileid.u32  }
0x36: {  	s1 =	rddreg [dreg:$0x1];
	p0 =	sne.s32 s2, $0x0  }
0x37: {  	s3 =	rddreg [dreg:$0x2];
	[bflag:$0x3] =	sbarrier.arrive $0xFFFF;
	s2 =	simm.s32 @!p0 $0x1C01  }
0x38: {  	[timem:s3], [sflag:s2] =	dma.local @!p0 [hbm:s0], s1  }
0x39: {  	s0 =	simm.s32 @!p0 $0x1  }
0x3a: {  	_ =	swait.ge @!p0 [sflag:s0], s1  }
0x3b: {  	s1 =	ssub.s32 @!p0 $0x0, s1;
	[sflag:s0] =	ssyncset.done @!p0 $0x0  }
0x3c: {  	[sflag:s0] =	ssyncadd.s32 @!p0 s1  }
0x3d: {  	[bflag:$0x3] =	sbarrier.arrive $0xFFFF  }
0x3e: {  	_ =	shalt  }

// kernel: kernel.9.cloned.1.call-start
scs
__scs_entry_jumppad:
0x0: {  	(pc) =	sbr.rel $0x88, $3  }
0x1: {  	(tag) =	ssettag $0x0;
	lr =	simm.s32 $0x1  }
0x2: {  	[smem:$0x3F9D] =	sst lr;
	_ =	strace $0xD0000000  }
0x3: {  	_ = 	snop  }
0x4: {  	_ = 	snop  }
0x5: {  	_ = 	snop  }
0x6: {  	_ = 	snop  }
0x7: {  	_ = 	snop  }
__scs_overlays_trampoline_lowered:
0x8: {  	[smem:$0x3FAC] =	sst s0  }
0x9: {  	[smem:$0x3FAD] =	sst s1  }
0xa: {  	[smem:$0x3FAE] =	sst s2  }
0xb: {  	[smem:$0x3FAF] =	sst s3  }
0xc: {  	[smem:$0x3FB0] =	sst s4  }
0xd: {  	[smem:$0x3FB1] =	sst s5  }
0xe: {  	[smem:$0x3FB2] =	sst s6  }
0xf: {  	[smem:$0x3FB3] =	sst s7  }
0x10: {  	[smem:$0x3FB4] =	sst s8  }
0x11: {  	[smem:$0x3FB5] =	sst s9;
	s0 =	simm.s32 @!p0 $0x0  }
0x12: {  	s1 =	sld [smem:$0x3F9B];
	s0 =	simm.s32 @p0 $0x1  }
0x13: {  	[smem:$0x3FB6] =	sst s0;
	s0 =	simm.s32 @!p1 $0x0  }
0x14: {  	s2 =	sld [smem:$0x3F9A];
	s0 =	simm.s32 @p1 $0x1  }
0x15: {  	[smem:$0x3FB7] =	sst s0;
	s0 =	simm.s32 @!p2 $0x0  }
0x16: {  	s3 =	sld [smem:$0x3FDB];
	s0 =	simm.s32 @p2 $0x1  }
0x17: {  	s4 =	simm.s32 $0x1BF5;
	[smem:$0x3FB9] =	sst s0  }
0x18: {  	s0 =	sld [smem:$0x3F9C];
	_ =	swait.ge [sflag:s4], $0x0  }
0x19: {  	s7 =	sld [smem:$0x3F9D]  }
0x1a: {  	s8 =	sadd.s32 $0xFFFFE003, lr  }
0x1b: {  	s9 =	sadd.s32 $0xFFFFFEF7, lr;
	s5 =	simm.s32 $0xFFFFFFFF;
	p2 =	slt.u32 s8, $0xFFFFF086  }
0x1c: {  	p1 =	slt.u32 s9, $0xF7A;
	s5 =	simm.s32 @!p2 $0x0  }
0x1d: {  	s5 =	simm.s32 @p1 $0x1;
	p0 =	seq.s32 s7, s2  }
0x1e: {  	s7 =	smul.u32 @!p0 $0xF7A, s2;
	p2 =	seq.s32 @!p0 s5, $0x0  }
0x1f: {  	s9 =	smul.u32 $0xF7A, s1;
	s8 =	simm.s32 @!p0 $0x1BF5;
	p2 =	por !p2, p0  }
0x20: {  	[sflag:s8] =	ssyncset.s32 @!p0 $0xFFFFF086;
	s6 =	sadd.s32 @!p0 s3, s7;
	s7 =	simm.s32 @!p0 $0x108  }
0x21: {  	s3 =	sadd.s32 s3, s9;
	s6 =	sadd.s32 @!p0 $0x88, s6;
	s7 =	simm.s32 @p2 $0x1082  }
0x22: {  	[simem:s7], [sflag:s8] =	dma.local @!p0 [hbm:s6], $0xF7A  }
0x23: {  	s9 =	sor.u32 $0xD0000000, s2;
	s6 =	simm.s32 $0x108;
	_ =	swait.ge @!p0 [sflag:s8], $0x0  }
0x24: {  	s3 =	sadd.s32 $0x88, s3;
	s6 =	simm.s32 @!p1 $0x1082;
	[sflag:s4] =	ssyncset.s32 $0xFFFFF086  }
0x25: {  	[simem:s6], [sflag:s4] =	dma.local [hbm:s3], $0xF7A  }
0x26: {  	[smem:$0x3F9D] =	sst s1;
	(tag) =	ssettag s2;
	_ =	strace s9  }
0x27: {  	s1 =	sld [smem:$0x3FAD]  }
0x28: {  	s2 =	sld [smem:$0x3FAE]  }
0x29: {  	s4 =	sld [smem:$0x3FB0]  }
0x2a: {  	p0 =	seq.s32 s5, $0x0;
	s5 =	sld [smem:$0x3FB1]  }
0x2b: {  	s6 =	sld [smem:$0x3FB2]  }
0x2c: {  	s7 =	sld [smem:$0x3FB3]  }
0x2d: {  	s3 =	simm.s32 $0x108;
	s8 =	sld [smem:$0x3FB4]  }
0x2e: {  	s3 =	simm.s32 @!p0 $0x1082;
	s9 =	sld [smem:$0x3FB5]  }
0x2f: {  	lr =	sadd.s32 s0, s3;
	s0 =	sld [smem:$0x3FAC]  }
0x30: {  	s3 =	sld [smem:$0x3FAF]  }
0x31: {  	[smem:$0x3FB8] =	sst s10  }
0x32: {  	s10 =	sld [smem:$0x3FB6];
	_ =	sdelay $0x3  }
0x33: {  	p0 =	seq.s32 s10, $0x1;
	s10 =	sld [smem:$0x3FB8];
	_ =	sdelay $0x3  }
0x34: {  	[smem:$0x3FB8] =	sst s10  }
0x35: {  	s10 =	sld [smem:$0x3FB7];
	_ =	sdelay $0x3  }
0x36: {  	p1 =	seq.s32 s10, $0x1;
	s10 =	sld [smem:$0x3FB8];
	_ =	sdelay $0x3  }
0x37: {  	[smem:$0x3FB8] =	sst s10  }
0x38: {  	s10 =	sld [smem:$0x3FB9]  }
0x39: {  	_ = 	snop;
	(pc) =	sbr.ind lr, $3  }
0x3a: {  	_ = 	snop  }
0x3b: {  	_ = 	snop  }
0x3c: {  	p2 =	seq.s32 s10, $0x1;
	s10 =	sld [smem:$0x3FB8]  }
0x3d: {  	_ =	shalt  }
0x3e: {  	_ =	shalt  }
0x3f: {  	_ =	shalt  }
0x40: {  	_ =	shalt  }
0x41: {  	_ =	shalt  }
0x42: {  	_ =	shalt  }
0x43: {  	_ =	shalt  }
0x44: {  	_ =	shalt  }
0x45: {  	_ =	shalt  }
0x46: {  	_ =	shalt  }
0x47: {  	_ =	shalt  }
0x48: {  	_ =	shalt  }
0x49: {  	_ =	shalt  }
0x4a: {  	_ =	shalt  }
0x4b: {  	_ =	shalt  }
0x4c: {  	_ =	shalt  }
0x4d: {  	_ =	shalt  }
0x4e: {  	_ =	shalt  }
0x4f: {  	_ =	shalt  }
0x50: {  	_ =	shalt  }
0x51: {  	_ =	shalt  }
0x52: {  	_ =	shalt  }
0x53: {  	_ =	shalt  }
0x54: {  	_ =	shalt  }
0x55: {  	_ =	shalt  }
0x56: {  	_ =	shalt  }
0x57: {  	_ =	shalt  }
0x58: {  	_ =	shalt  }
0x59: {  	_ =	shalt  }
0x5a: {  	_ =	shalt  }
0x5b: {  	_ =	shalt  }
0x5c: {  	_ =	shalt  }
0x5d: {  	_ =	shalt  }
0x5e: {  	_ =	shalt  }
0x5f: {  	_ =	shalt  }
0x60: {  	_ =	shalt  }
0x61: {  	_ =	shalt  }
0x62: {  	_ =	shalt  }
0x63: {  	_ =	shalt  }
0x64: {  	_ =	shalt  }
0x65: {  	_ =	shalt  }
0x66: {  	_ =	shalt  }
0x67: {  	_ =	shalt  }
0x68: {  	_ =	shalt  }
0x69: {  	_ =	shalt  }
0x6a: {  	_ =	shalt  }
0x6b: {  	_ =	shalt  }
0x6c: {  	_ =	shalt  }
0x6d: {  	_ =	shalt  }
0x6e: {  	_ =	shalt  }
0x6f: {  	_ =	shalt  }
0x70: {  	_ =	shalt  }
0x71: {  	_ =	shalt  }
0x72: {  	_ =	shalt  }
0x73: {  	_ =	shalt  }
0x74: {  	_ =	shalt  }
0x75: {  	_ =	shalt  }
0x76: {  	_ =	shalt  }
0x77: {  	_ =	shalt  }
0x78: {  	_ =	shalt  }
0x79: {  	_ =	shalt  }
0x7a: {  	_ =	shalt  }
0x7b: {  	_ =	shalt  }
0x7c: {  	_ =	shalt  }
0x7d: {  	_ =	shalt  }
0x7e: {  	_ =	shalt  }
0x7f: {  	_ =	shalt  }
0x80: {  	_ =	shalt  }
0x81: {  	_ =	shalt  }
0x82: {  	_ =	shalt  }
0x83: {  	_ =	shalt  }
0x84: {  	_ =	shalt  }
0x85: {  	_ =	shalt  }
0x86: {  	_ =	shalt  }
0x87: {  	_ =	shalt  }
.Lfunc_end0:
.L_simem_size_0:
called_computation.1_lowered:
.L_overlay_start_0:
0x88: {  	s2 =	sld [smem:$0x3FD9]  }
0x89: {  	s3 =	sld [smem:$0x3FFE];
	_ =	sdelay $0x1  }
0x8a: {  	s1 =	srdreg.scid  }
0x8b: {  	s0 =	sand.u32 $0x1, s1  }
0x8c: {  	s17 =	sshll.u32 s0, $0xA;
	s2 =	sadd.s32 s3, s2  }
0x8d: {  	s2 =	sadd.s32 s2, s17  }
0x8e: {  	[smem:$0x3FC4] =	sst s2  }
0x8f: {  	_ = 	snop  }
0x90: {  	s2 =	sld [smem:$0x3FD0];
	(tm) =	ssettm $0x1  }
0x91: {  	s18 =	sld [smem:$0x3FFB];
	_ =	sdelay $0x3  }
0x92: {  	_ =	strace s18  }
0x93: {  	s3 =	sld [smem:$0x3FFC];
	_ =	sdelay $0x3  }
0x94: {  	_ =	strace s3  }
0x95: {  	s3 =	sld [smem:$0x3FFD];
	_ =	sdelay $0x3  }
0x96: {  	_ =	strace s3  }
0x97: {  	_ =	strace $0x8FFFFFFF  }
0x98: {  	s19 =	sld [smem:$0x3FDB];
	_ =	sdelay $0x1  }
0x99: {  	s4 =	simm.s32 $_scs_section_size  }
0x9a: {  	s5 =	simm.s32 $_size__tile_overlayer_lowered;
	s6 =	simm.s32 $_tile_overlayer_lowered  }
0x9b: {  	s22 =	simm.s32 $0x1BFF;
	s21 =	sshll.u32 s6, $0x1;
	s3 =	sadd.s32 s4, s19  }
0x9c: {  	s7 =	simm.s32 $0x0;
	s20 =	sshll.u32 s5, $0x1;
	s5 =	sadd.s32 s21, s3  }
0x9d: {  	[timem:s7], [sflag:s22] =	dma.local [hbm:s5], s20  }
0x9e: {  	_ =	swait.ge [sflag:s22], s20  }
0x9f: {  	s4 =	ssub.s32 $0x0, s20;
	[sflag:s22] =	ssyncset.done $0x0  }
0xa0: {  	[sflag:s22] =	ssyncadd.s32 s4;
	_ =	sdelay $0x1  }
0xa1: {  	s23 =	simm.s32 $0x1B8B  }
0xa2: {  	_ =	swait.ge [sflag:s23], $0x1  }
0xa3: {  	[sflag:s23] =	ssyncset.done $0x0  }
0xa4: {  	s25 =	simm.s32 $0x1B8E;
	s24 =	sld [smem:$0x3FFE];
	[sflag:s23] =	ssyncadd.s32 $0xFFFFFFFF  }
0xa5: {  	s26 =	simm.s32 $execute0_lowered;
	[smem:$0x3FD2] =	sst s25  }
0xa6: {  	s5 =	sshll.u32 s26, $0x1;
	_ =	strace $0x80000049;
	[dreg:$0x1] =	wrdreg $0xFFFFFFFF  }
0xa7: {  	s28 =	simm.s32 $_size_execute0_lowered;
	s3 =	sadd.s32 s3, s5;
	[dreg:$0x0] =	wrdreg $0x0  }
0xa8: {  	s5 =	sshll.u32 s28, $0x1;
	[dreg:$0x2] =	wrdreg s3  }
0xa9: {  	[dreg:$0x3] =	wrdreg s5  }
0xaa: {  	[dreg:$0x4] =	wrdreg $0xC0  }
0xab: {  	_ =	task [dreg:s7], $0x5FFFF  }
0xac: {  	[dreg:$0x1] =	wrdreg $0xFFFFFFFF  }
0xad: {  	[dreg:$0x0] =	wrdreg $0x60  }
0xae: {  	[dreg:$0x2] =	wrdreg s24  }
0xaf: {  	[dreg:$0x3] =	wrdreg s2  }
0xb0: {  	[dreg:$0x4] =	wrdreg $0xA8000  }
0xb1: {  	[dreg:$0x5] =	wrdreg $0x148000  }
0xb2: {  	[dreg:$0x6] =	wrdreg $0x9  }
0xb3: {  	_ =	task.clear_ibuf [dreg:s7], $0x7FFFF;
	_ =	strace $0x90000049  }
0xb4: {  	s29 =	simm.s32 $0x9;
	_ =	strace $0x8000004B  }
0xb5: {  	_ =	swait.ge [sflag:s29], $0x1  }
0xb6: {  	[sflag:s29] =	ssyncadd.s32 $0xFFFFFFFF  }
0xb7: {  	_ =	strace $0x9000004B  }
0xb8: {  	_ =	sfence  }
0xb9: {  	s30 =	sld [smem:$0x0];
	_ =	sdelay $0x2  }
0xba: {  	s31 =	sshll.u32 s1, $0xD;
	s1 =	sshrl.u32 s1, $0x2  }
0xbb: {  	s3 =	sand.u32 $0x4000, s31;
	s1 =	sadd.s32 s1, s30  }
0xbc: {  	s0 =	sor.u32 s3, s0;
	s1 =	sshll.u32 s1, $0x11  }
0xbd: {  	s0 =	sor.u32 s1, s0  }
0xbe: {  	s0 =	sadd.s32 $0x8F2B, s0  }
0xbf: {  	[sflag:s0] =	ssyncadd.remote.s32 $0x1  }
0xc0: {  	_ =	sfence.sel $0xFFFF  }
0xc1: {  	[dreg:$0x0] =	wrdreg $0xFFFFFFFF;
	(pc) =	sbr.abs _section_cstart, $3  }
0xc2: {  	[dreg:$0x1] =	wrdreg $0xFFFFFFFF  }
0xc3: {  	_ =	task.clear_ibuf [dreg:s7], $0x2FFFF;
	_ =	strace $0x9FFFFFFF  }
0xc4: {  	(tm) =	ssettm $0x7FFFFFFF  }
0xc5: {  	_ =	shalt  }
tec
execute0_lowered:
.L_overlay_start_1:
0x0: {  	(tag) =	ssettag $0x1  }
0x1: {  	s0 =	rddreg [dreg:$0x0]  }
0x2: {  	s1 =	rddreg [dreg:$0x1]  }
0x3: {  	s2 =	rddreg [dreg:$0x2];
	s12 =	stileid.u32  }
0x4: {  	s4 =	srdreg.scid;
	s3 =	rddreg [dreg:$0x3];
	s24 =	simm.s32 $0x0  }
0x5: {  	s14 =	simm.s32 $0x1400;
	s15 =	simm.s32 $0x80;
	s16 =	simm.s32 $0x2800  }
0x6: {  	s17 =	simm.s32 $0x4800;
	s18 =	simm.s32 $0x6800;
	s19 =	simm.s32 $0x8800  }
0x7: {  	s20 =	simm.s32 $0x1;
	s21 =	simm.s32 $0x2;
	s22 =	simm.s32 $0x3  }
0x8: {  	s23 =	simm.s32 $0x4;
	s28 =	simm.s32 $0x7;
	s29 =	simm.s32 $0x8  }
0x9: {  	s30 =	simm.s32 $0x0;
	s5 =	smul.u32 $0xA00, s12;
	s6 =	sand.u32 $0x1, s4  }
0xa: {  	[smem:$0x7FF] =	sst s24;
	s8 =	smul.u32 $0xA000, s12;
	s31 =	sshll.u32 s12, $0x6  }
0xb: {  	s12 =	simm.s32 $0x9;
	s7 =	smul.u32 $0x14000, s6;
	s6 =	ssub.s32 $0x2, s6  }
0xc: {  	_ =	strace $0x8000004A;
	s9 =	sadd.s32 s5, s0;
	s25 =	sshrl.u32 s6, $0x1  }
0xd: {  	s24 =	sshrl.u32 s8, $0x3;
	s11 =	sadd.s32 s8, s2;
	s13 =	sadd.s32 s8, s3  }
0xe: {  	s0 =	sadd.s32 s7, s0;
	s10 =	ssub.s32 s6, s25;
	s6 =	sor.u32 $0x1C09, s31  }
0xf: {  	s7 =	sadd.s32 s1, s24;
	s8 =	sadd.s32 $0x15A00, s9;
	s9 =	sadd.s32 $0x1400, s9  }
0x10: {  	s11 =	sshrl.u32 s11, $0x3;
	s13 =	sshrl.u32 s13, $0x3;
	s25 =	simm.s32 $0x5  }
0x11: {  	s26 =	sadd.s32 s24, s0;
	s0 =	sadd.s32 $0x97A00, s0;
	s10 =	smax.u32 s10, $0x1  }
0x12: {  	s5 =	sadd.s32 $0x6FA00, s26;
	s24 =	sadd.s32 s24, s0;
	s26 =	simm.s32 $0x6  }
.LBB2_1:
0x13: {  	[spmem:s11], [sflag:s6] =	dma.local [hbm:s5], $0x1400  }
0x14: {  	_ =	swait.ge [sflag:s12], $0x1400  }
0x15: {  	[sflag:s12] =	ssyncset.done $0x0  }
0x16: {  	[sflag:s12] =	ssyncadd.s32 $0xFFFFEC00  }
0x17: {  	[spmem:s13], [sflag:s6] =	dma.local [hbm:s7], $0x1400  }
0x18: {  	_ =	swait.ge [sflag:s12], $0x1400  }
0x19: {  	[sflag:s12] =	ssyncset.done $0x0  }
0x1a: {  	[sflag:s12] =	ssyncadd.s32 $0xFFFFEC00  }
0x1b: {  	s0 =	simm.s32 $0x0;
	[bflag:$0x0] =	sbarrier.arrive $0xFFFF  }
0x1c: {  	[tilespmem:s0], [sflag:$0x9] =	stream.linear.gather [hbm4b:s8+s0], $0x1400, $0x38;
	[tilespmem:$0x1E800] =	vst v63  }
0x1d: {  	_ =	swait.ge [sflag:s12], $0x1400  }
0x1e: {  	[sflag:s12] =	ssyncset.done $0x0  }
0x1f: {  	[sflag:s12] =	ssyncadd.s32 $0xFFFFEC00  }
0x20: {  	[tilespmem:s14], [sflag:$0x9] =	stream.linear.gather [hbm4b:s9+s0], $0x1400, $0x38;
	[tilespmem:$0x1E800] =	vst v63  }
0x21: {  	_ =	swait.ge [sflag:s12], $0x1400  }
0x22: {  	[sflag:s12] =	ssyncset.done $0x0  }
0x23: {  	s1 =	simm.s32 $0x0;
	[sflag:s12] =	ssyncadd.s32 $0xFFFFEC00  }
0x24: {  	[tilespmem:s16], [sflag:$0x1] =	stream.indirect.gather [spmem:s2], $0x40, s1, s15, $0xb8;
	[tilespmem:$0x1E800] =	vst v63  }
0x25: {  	s4 =	simm.s32 $0x80  }
0x26: {  	[tilespmem:s17], [sflag:$0x2] =	stream.indirect.gather [spmem:s2], $0x40, s4, s15, $0xb8;
	[tilespmem:$0x1E800] =	vst v63  }
0x27: {  	s1 =	simm.s32 $0x100  }
0x28: {  	[tilespmem:s18], [sflag:$0x3] =	stream.indirect.gather [spmem:s2], $0x40, s1, s15, $0xb8;
	[tilespmem:$0x1E800] =	vst v63  }
0x29: {  	s4 =	simm.s32 $0x180  }
0x2a: {  	[tilespmem:s19], [sflag:$0x4] =	stream.indirect.gather [spmem:s2], $0x40, s4, s15, $0xb8;
	[tilespmem:$0x1E800] =	vst v63  }
0x2b: {  	_ =	swait.ge [sflag:s20], $0x2000  }
0x2c: {  	[sflag:s20] =	ssyncset.done $0x0  }
0x2d: {  	s1 =	simm.s32 $0x1400;
	[sflag:s20] =	ssyncadd.s32 $0xFFFFE000  }
0x2e: {  	[spmem:s3] =	stream.indirect.scatter.add.f32 [tilespmem:s16], [sflag:$0x5], $0x40, s1, s15, $0xb8;
	[tilespmem:$0x1E800] =	vst v63  }
0x2f: {  	_ =	swait.ge [sflag:s21], $0x2000  }
0x30: {  	[sflag:s21] =	ssyncset.done $0x0  }
0x31: {  	s4 =	simm.s32 $0x1480;
	[sflag:s21] =	ssyncadd.s32 $0xFFFFE000  }
0x32: {  	[spmem:s3] =	stream.indirect.scatter.add.f32 [tilespmem:s17], [sflag:$0x6], $0x40, s4, s15, $0xb8;
	[tilespmem:$0x1E800] =	vst v63  }
0x33: {  	_ =	swait.ge [sflag:s22], $0x2000  }
0x34: {  	[sflag:s22] =	ssyncset.done $0x0  }
0x35: {  	s1 =	simm.s32 $0x1500;
	[sflag:s22] =	ssyncadd.s32 $0xFFFFE000  }
0x36: {  	[spmem:s3] =	stream.indirect.scatter.add.f32 [tilespmem:s18], [sflag:$0x7], $0x40, s1, s15, $0xb8;
	[tilespmem:$0x1E800] =	vst v63  }
0x37: {  	_ =	swait.ge [sflag:s23], $0x2000  }
0x38: {  	[sflag:s23] =	ssyncset.done $0x0  }
0x39: {  	s4 =	simm.s32 $0x1580;
	[sflag:s23] =	ssyncadd.s32 $0xFFFFE000  }
0x3a: {  	[spmem:s3] =	stream.indirect.scatter.add.f32 [tilespmem:s19], [sflag:$0x8], $0x40, s4, s15, $0xb8;
	[tilespmem:$0x1E800] =	vst v63  }
0x3b: {  	_ =	swait.ge [sflag:s25], $0x2000  }
0x3c: {  	[sflag:s25] =	ssyncset.done $0x0  }
0x3d: {  	[sflag:s25] =	ssyncadd.s32 $0xFFFFE000  }
0x3e: {  	_ =	swait.ge [sflag:s26], $0x2000  }
0x3f: {  	[sflag:s26] =	ssyncset.done $0x0  }
0x40: {  	[sflag:s26] =	ssyncadd.s32 $0xFFFFE000  }
0x41: {  	_ =	swait.ge [sflag:s28], $0x2000  }
0x42: {  	[sflag:s28] =	ssyncset.done $0x0  }
0x43: {  	[sflag:s28] =	ssyncadd.s32 $0xFFFFE000  }
0x44: {  	_ =	swait.ge [sflag:s29], $0x2000  }
0x45: {  	s31 =	simm.s32 $0x800;
	s1 =	simm.s32 $0x1000;
	[sflag:s29] =	ssyncset.done $0x0  }
.LBB2_2:
0x46: {  	s4 =	sshra.s32 s31, $0x2  }
0x47: {  	[sflag:s29] =	ssyncadd.s32 $0xFFFFE000;
	s31 =	smov.u32 s1;
	s0 =	sadd.s32 $0x800, s1  }
0x48: {  	[tilespmem:s16], [sflag:$0x1] =	stream.indirect.gather [spmem:s2], $0x40, s4, s15, $0xb8;
	[tilespmem:$0x1E800] =	vst v63  }
0x49: {  	p0 =	sne.s32 s1, $0x4800;
	s1 =	sadd.s32 $0x80, s4  }
0x4a: {  	[tilespmem:s17], [sflag:$0x2] =	stream.indirect.gather [spmem:s2], $0x40, s1, s15, $0xb8;
	[tilespmem:$0x1E800] =	vst v63  }
0x4b: {  	s1 =	sadd.s32 $0x100, s4  }
0x4c: {  	[tilespmem:s18], [sflag:$0x3] =	stream.indirect.gather [spmem:s2], $0x40, s1, s15, $0xb8;
	[tilespmem:$0x1E800] =	vst v63  }
0x4d: {  	s1 =	sadd.s32 $0x180, s4  }
0x4e: {  	[tilespmem:s19], [sflag:$0x4] =	stream.indirect.gather [spmem:s2], $0x40, s1, s15, $0xb8;
	[tilespmem:$0x1E800] =	vst v63  }
0x4f: {  	_ =	swait.ge [sflag:s20], $0x2000  }
0x50: {  	[sflag:s20] =	ssyncset.done $0x0  }
0x51: {  	s1 =	sadd.s32 $0x1400, s4;
	[sflag:s20] =	ssyncadd.s32 $0xFFFFE000  }
0x52: {  	[spmem:s3] =	stream.indirect.scatter.add.f32 [tilespmem:s16], [sflag:$0x5], $0x40, s1, s15, $0xb8;
	[tilespmem:$0x1E800] =	vst v63  }
0x53: {  	_ =	swait.ge [sflag:s21], $0x2000  }
0x54: {  	[sflag:s21] =	ssyncset.done $0x0  }
0x55: {  	s1 =	sadd.s32 $0x1480, s4;
	[sflag:s21] =	ssyncadd.s32 $0xFFFFE000  }
0x56: {  	[spmem:s3] =	stream.indirect.scatter.add.f32 [tilespmem:s17], [sflag:$0x6], $0x40, s1, s15, $0xb8;
	[tilespmem:$0x1E800] =	vst v63  }
0x57: {  	_ =	swait.ge [sflag:s22], $0x2000  }
0x58: {  	[sflag:s22] =	ssyncset.done $0x0  }
0x59: {  	s1 =	sadd.s32 $0x1500, s4;
	[sflag:s22] =	ssyncadd.s32 $0xFFFFE000  }
0x5a: {  	[spmem:s3] =	stream.indirect.scatter.add.f32 [tilespmem:s18], [sflag:$0x7], $0x40, s1, s15, $0xb8;
	[tilespmem:$0x1E800] =	vst v63  }
0x5b: {  	_ =	swait.ge [sflag:s23], $0x2000  }
0x5c: {  	[sflag:s23] =	ssyncset.done $0x0  }
0x5d: {  	s1 =	sadd.s32 $0x1580, s4;
	[sflag:s23] =	ssyncadd.s32 $0xFFFFE000  }
0x5e: {  	[spmem:s3] =	stream.indirect.scatter.add.f32 [tilespmem:s19], [sflag:$0x8], $0x40, s1, s15, $0xb8;
	[tilespmem:$0x1E800] =	vst v63  }
0x5f: {  	_ =	swait.ge [sflag:s25], $0x2000  }
0x60: {  	[sflag:s25] =	ssyncset.done $0x0  }
0x61: {  	[sflag:s25] =	ssyncadd.s32 $0xFFFFE000  }
0x62: {  	_ =	swait.ge [sflag:s26], $0x2000  }
0x63: {  	[sflag:s26] =	ssyncset.done $0x0  }
0x64: {  	[sflag:s26] =	ssyncadd.s32 $0xFFFFE000  }
.Ltmp0:
0x65: {  	_ =	swait.ge [sflag:s28], $0x2000;
	(pc) =	sbr.rel @p0 .LBB2_2-.Ltmp0, $4  }
0x66: {  	[sflag:s28] =	ssyncset.done $0x0  }
0x67: {  	[sflag:s28] =	ssyncadd.s32 $0xFFFFE000  }
0x68: {  	_ =	swait.ge [sflag:s29], $0x2000  }
0x69: {  	s1 =	smov.u32 s0;
	[sflag:s29] =	ssyncset.done $0x0  }
0x6a: {  	s0 =	sshra.s32 s31, $0x2;
	[sflag:s29] =	ssyncadd.s32 $0xFFFFE000  }
0x6b: {  	[tilespmem:s16], [sflag:$0x1] =	stream.indirect.gather [spmem:s2], $0x40, s0, s15, $0xb8;
	[tilespmem:$0x1E800] =	vst v63  }
0x6c: {  	s1 =	sadd.s32 $0x80, s0  }
0x6d: {  	[tilespmem:s17], [sflag:$0x2] =	stream.indirect.gather [spmem:s2], $0x40, s1, s15, $0xb8;
	[tilespmem:$0x1E800] =	vst v63  }
0x6e: {  	s4 =	sadd.s32 $0x100, s0  }
0x6f: {  	[tilespmem:s18], [sflag:$0x3] =	stream.indirect.gather [spmem:s2], $0x40, s4, s15, $0xb8;
	[tilespmem:$0x1E800] =	vst v63  }
0x70: {  	s4 =	sadd.s32 $0x180, s0  }
0x71: {  	[tilespmem:s19], [sflag:$0x4] =	stream.indirect.gather [spmem:s2], $0x40, s4, s15, $0xb8;
	[tilespmem:$0x1E800] =	vst v63  }
0x72: {  	_ =	swait.ge [sflag:s20], $0x2000  }
0x73: {  	[sflag:s20] =	ssyncset.done $0x0  }
0x74: {  	s4 =	sadd.s32 $0x1400, s0;
	[sflag:s20] =	ssyncadd.s32 $0xFFFFE000  }
0x75: {  	[spmem:s3] =	stream.indirect.scatter.add.f32 [tilespmem:s16], [sflag:$0x5], $0x40, s4, s15, $0xb8;
	[tilespmem:$0x1E800] =	vst v63  }
0x76: {  	_ =	swait.ge [sflag:s21], $0x2000  }
0x77: {  	[sflag:s21] =	ssyncset.done $0x0  }
0x78: {  	s4 =	sadd.s32 $0x1480, s0;
	[sflag:s21] =	ssyncadd.s32 $0xFFFFE000  }
0x79: {  	[spmem:s3] =	stream.indirect.scatter.add.f32 [tilespmem:s17], [sflag:$0x6], $0x40, s4, s15, $0xb8;
	[tilespmem:$0x1E800] =	vst v63  }
0x7a: {  	_ =	swait.ge [sflag:s22], $0x2000  }
0x7b: {  	[sflag:s22] =	ssyncset.done $0x0  }
0x7c: {  	s4 =	sadd.s32 $0x1500, s0;
	[sflag:s22] =	ssyncadd.s32 $0xFFFFE000  }
0x7d: {  	[spmem:s3] =	stream.indirect.scatter.add.f32 [tilespmem:s18], [sflag:$0x7], $0x40, s4, s15, $0xb8;
	[tilespmem:$0x1E800] =	vst v63  }
0x7e: {  	_ =	swait.ge [sflag:s23], $0x2000  }
0x7f: {  	[sflag:s23] =	ssyncset.done $0x0  }
0x80: {  	s0 =	sadd.s32 $0x1580, s0;
	[sflag:s23] =	ssyncadd.s32 $0xFFFFE000  }
0x81: {  	[spmem:s3] =	stream.indirect.scatter.add.f32 [tilespmem:s19], [sflag:$0x8], $0x40, s0, s15, $0xb8;
	[tilespmem:$0x1E800] =	vst v63  }
0x82: {  	_ =	swait.ge [sflag:s25], $0x2000  }
0x83: {  	[sflag:s25] =	ssyncset.done $0x0  }
0x84: {  	[sflag:s25] =	ssyncadd.s32 $0xFFFFE000  }
0x85: {  	_ =	swait.ge [sflag:s26], $0x2000  }
0x86: {  	[sflag:s26] =	ssyncset.done $0x0  }
0x87: {  	[sflag:s26] =	ssyncadd.s32 $0xFFFFE000  }
0x88: {  	_ =	swait.ge [sflag:s28], $0x2000  }
0x89: {  	[sflag:s28] =	ssyncset.done $0x0  }
0x8a: {  	[sflag:s28] =	ssyncadd.s32 $0xFFFFE000  }
0x8b: {  	_ =	swait.ge [sflag:s29], $0x2000  }
0x8c: {  	[sflag:s29] =	ssyncset.done $0x0  }
0x8d: {  	s1 =	simm.s32 $0x0;
	s4 =	sadd.s32 $0x280, s8;
	[sflag:s29] =	ssyncadd.s32 $0xFFFFE000  }
0x8e: {  	[tilespmem:s1], [sflag:$0x9] =	stream.linear.gather [hbm4b:s4+s1], $0x1400, $0x38;
	[tilespmem:$0x1E800] =	vst v63  }
0x8f: {  	_ =	swait.ge [sflag:s12], $0x1400  }
0x90: {  	[sflag:s12] =	ssyncset.done $0x0  }
0x91: {  	s4 =	sadd.s32 $0x280, s9;
	[sflag:s12] =	ssyncadd.s32 $0xFFFFEC00  }
0x92: {  	[tilespmem:s14], [sflag:$0x9] =	stream.linear.gather [hbm4b:s4+s1], $0x1400, $0x38;
	[tilespmem:$0x1E800] =	vst v63  }
0x93: {  	_ =	swait.ge [sflag:s12], $0x1400  }
0x94: {  	[sflag:s12] =	ssyncset.done $0x0  }
0x95: {  	s1 =	simm.s32 $0x0;
	[sflag:s12] =	ssyncadd.s32 $0xFFFFEC00  }
0x96: {  	[tilespmem:s16], [sflag:$0x1] =	stream.indirect.gather [spmem:s2], $0x40, s1, s15, $0xb8;
	[tilespmem:$0x1E800] =	vst v63  }
0x97: {  	s4 =	simm.s32 $0x80  }
0x98: {  	[tilespmem:s17], [sflag:$0x2] =	stream.indirect.gather [spmem:s2], $0x40, s4, s15, $0xb8;
	[tilespmem:$0x1E800] =	vst v63  }
0x99: {  	s1 =	simm.s32 $0x100  }
0x9a: {  	[tilespmem:s18], [sflag:$0x3] =	stream.indirect.gather [spmem:s2], $0x40, s1, s15, $0xb8;
	[tilespmem:$0x1E800] =	vst v63  }
0x9b: {  	s4 =	simm.s32 $0x180  }
0x9c: {  	[tilespmem:s19], [sflag:$0x4] =	stream.indirect.gather [spmem:s2], $0x40, s4, s15, $0xb8;
	[tilespmem:$0x1E800] =	vst v63  }
0x9d: {  	_ =	swait.ge [sflag:s20], $0x2000  }
0x9e: {  	[sflag:s20] =	ssyncset.done $0x0  }
0x9f: {  	s1 =	simm.s32 $0x1400;
	[sflag:s20] =	ssyncadd.s32 $0xFFFFE000  }
0xa0: {  	[spmem:s3] =	stream.indirect.scatter.add.f32 [tilespmem:s16], [sflag:$0x5], $0x40, s1, s15, $0xb8;
	[tilespmem:$0x1E800] =	vst v63  }
0xa1: {  	_ =	swait.ge [sflag:s21], $0x2000  }
0xa2: {  	[sflag:s21] =	ssyncset.done $0x0  }
0xa3: {  	s4 =	simm.s32 $0x1480;
	[sflag:s21] =	ssyncadd.s32 $0xFFFFE000  }
0xa4: {  	[spmem:s3] =	stream.indirect.scatter.add.f32 [tilespmem:s17], [sflag:$0x6], $0x40, s4, s15, $0xb8;
	[tilespmem:$0x1E800] =	vst v63  }
0xa5: {  	_ =	swait.ge [sflag:s22], $0x2000  }
0xa6: {  	[sflag:s22] =	ssyncset.done $0x0  }
0xa7: {  	s1 =	simm.s32 $0x1500;
	[sflag:s22] =	ssyncadd.s32 $0xFFFFE000  }
0xa8: {  	[spmem:s3] =	stream.indirect.scatter.add.f32 [tilespmem:s18], [sflag:$0x7], $0x40, s1, s15, $0xb8;
	[tilespmem:$0x1E800] =	vst v63  }
0xa9: {  	_ =	swait.ge [sflag:s23], $0x2000  }
0xaa: {  	[sflag:s23] =	ssyncset.done $0x0  }
0xab: {  	s4 =	simm.s32 $0x1580;
	[sflag:s23] =	ssyncadd.s32 $0xFFFFE000  }
0xac: {  	[spmem:s3] =	stream.indirect.scatter.add.f32 [tilespmem:s19], [sflag:$0x8], $0x40, s4, s15, $0xb8;
	[tilespmem:$0x1E800] =	vst v63  }
0xad: {  	_ =	swait.ge [sflag:s25], $0x2000  }
0xae: {  	[sflag:s25] =	ssyncset.done $0x0  }
0xaf: {  	[sflag:s25] =	ssyncadd.s32 $0xFFFFE000  }
0xb0: {  	_ =	swait.ge [sflag:s26], $0x2000  }
0xb1: {  	[sflag:s26] =	ssyncset.done $0x0  }
0xb2: {  	[sflag:s26] =	ssyncadd.s32 $0xFFFFE000  }
0xb3: {  	_ =	swait.ge [sflag:s28], $0x2000  }
0xb4: {  	[sflag:s28] =	ssyncset.done $0x0  }
0xb5: {  	[sflag:s28] =	ssyncadd.s32 $0xFFFFE000  }
0xb6: {  	_ =	swait.ge [sflag:s29], $0x2000  }
0xb7: {  	s31 =	simm.s32 $0x800;
	s0 =	simm.s32 $0x1000;
	[sflag:s29] =	ssyncset.done $0x0  }
.LBB2_4:
0xb8: {  	s4 =	sshra.s32 s31, $0x2  }
0xb9: {  	[sflag:s29] =	ssyncadd.s32 $0xFFFFE000;
	s31 =	smov.u32 s0;
	s1 =	sadd.s32 $0x800, s0  }
0xba: {  	[tilespmem:s16], [sflag:$0x1] =	stream.indirect.gather [spmem:s2], $0x40, s4, s15, $0xb8;
	[tilespmem:$0x1E800] =	vst v63  }
0xbb: {  	p0 =	sne.s32 s0, $0x4800;
	s0 =	sadd.s32 $0x80, s4  }
0xbc: {  	[tilespmem:s17], [sflag:$0x2] =	stream.indirect.gather [spmem:s2], $0x40, s0, s15, $0xb8;
	[tilespmem:$0x1E800] =	vst v63  }
0xbd: {  	s0 =	sadd.s32 $0x100, s4  }
0xbe: {  	[tilespmem:s18], [sflag:$0x3] =	stream.indirect.gather [spmem:s2], $0x40, s0, s15, $0xb8;
	[tilespmem:$0x1E800] =	vst v63  }
0xbf: {  	s0 =	sadd.s32 $0x180, s4  }
0xc0: {  	[tilespmem:s19], [sflag:$0x4] =	stream.indirect.gather [spmem:s2], $0x40, s0, s15, $0xb8;
	[tilespmem:$0x1E800] =	vst v63  }
0xc1: {  	_ =	swait.ge [sflag:s20], $0x2000  }
0xc2: {  	[sflag:s20] =	ssyncset.done $0x0  }
0xc3: {  	s0 =	sadd.s32 $0x1400, s4;
	[sflag:s20] =	ssyncadd.s32 $0xFFFFE000  }
0xc4: {  	[spmem:s3] =	stream.indirect.scatter.add.f32 [tilespmem:s16], [sflag:$0x5], $0x40, s0, s15, $0xb8;
	[tilespmem:$0x1E800] =	vst v63  }
0xc5: {  	_ =	swait.ge [sflag:s21], $0x2000  }
0xc6: {  	[sflag:s21] =	ssyncset.done $0x0  }
0xc7: {  	s0 =	sadd.s32 $0x1480, s4;
	[sflag:s21] =	ssyncadd.s32 $0xFFFFE000  }
0xc8: {  	[spmem:s3] =	stream.indirect.scatter.add.f32 [tilespmem:s17], [sflag:$0x6], $0x40, s0, s15, $0xb8;
	[tilespmem:$0x1E800] =	vst v63  }
0xc9: {  	_ =	swait.ge [sflag:s22], $0x2000  }
0xca: {  	[sflag:s22] =	ssyncset.done $0x0  }
0xcb: {  	s0 =	sadd.s32 $0x1500, s4;
	[sflag:s22] =	ssyncadd.s32 $0xFFFFE000  }
0xcc: {  	[spmem:s3] =	stream.indirect.scatter.add.f32 [tilespmem:s18], [sflag:$0x7], $0x40, s0, s15, $0xb8;
	[tilespmem:$0x1E800] =	vst v63  }
0xcd: {  	_ =	swait.ge [sflag:s23], $0x2000  }
0xce: {  	[sflag:s23] =	ssyncset.done $0x0  }
0xcf: {  	s0 =	sadd.s32 $0x1580, s4;
	[sflag:s23] =	ssyncadd.s32 $0xFFFFE000  }
0xd0: {  	[spmem:s3] =	stream.indirect.scatter.add.f32 [tilespmem:s19], [sflag:$0x8], $0x40, s0, s15, $0xb8;
	[tilespmem:$0x1E800] =	vst v63  }
0xd1: {  	_ =	swait.ge [sflag:s25], $0x2000  }
0xd2: {  	[sflag:s25] =	ssyncset.done $0x0  }
0xd3: {  	[sflag:s25] =	ssyncadd.s32 $0xFFFFE000  }
0xd4: {  	_ =	swait.ge [sflag:s26], $0x2000  }
0xd5: {  	[sflag:s26] =	ssyncset.done $0x0  }
0xd6: {  	[sflag:s26] =	ssyncadd.s32 $0xFFFFE000  }
.Ltmp1:
0xd7: {  	_ =	swait.ge [sflag:s28], $0x2000;
	(pc) =	sbr.rel @p0 .LBB2_4-.Ltmp1, $4  }
0xd8: {  	[sflag:s28] =	ssyncset.done $0x0  }
0xd9: {  	[sflag:s28] =	ssyncadd.s32 $0xFFFFE000  }
0xda: {  	_ =	swait.ge [sflag:s29], $0x2000  }
0xdb: {  	s0 =	smov.u32 s1;
	[sflag:s29] =	ssyncset.done $0x0  }
0xdc: {  	s0 =	sshra.s32 s31, $0x2;
	[sflag:s29] =	ssyncadd.s32 $0xFFFFE000  }
0xdd: {  	[tilespmem:s16], [sflag:$0x1] =	stream.indirect.gather [spmem:s2], $0x40, s0, s15, $0xb8;
	[tilespmem:$0x1E800] =	vst v63  }
0xde: {  	s1 =	sadd.s32 $0x80, s0  }
0xdf: {  	[tilespmem:s17], [sflag:$0x2] =	stream.indirect.gather [spmem:s2], $0x40, s1, s15, $0xb8;
	[tilespmem:$0x1E800] =	vst v63  }
0xe0: {  	s4 =	sadd.s32 $0x100, s0  }
0xe1: {  	[tilespmem:s18], [sflag:$0x3] =	stream.indirect.gather [spmem:s2], $0x40, s4, s15, $0xb8;
	[tilespmem:$0x1E800] =	vst v63  }
0xe2: {  	s4 =	sadd.s32 $0x180, s0  }
0xe3: {  	[tilespmem:s19], [sflag:$0x4] =	stream.indirect.gather [spmem:s2], $0x40, s4, s15, $0xb8;
	[tilespmem:$0x1E800] =	vst v63  }
0xe4: {  	_ =	swait.ge [sflag:s20], $0x2000  }
0xe5: {  	[sflag:s20] =	ssyncset.done $0x0  }
0xe6: {  	s4 =	sadd.s32 $0x1400, s0;
	[sflag:s20] =	ssyncadd.s32 $0xFFFFE000  }
0xe7: {  	[spmem:s3] =	stream.indirect.scatter.add.f32 [tilespmem:s16], [sflag:$0x5], $0x40, s4, s15, $0xb8;
	[tilespmem:$0x1E800] =	vst v63  }
0xe8: {  	_ =	swait.ge [sflag:s21], $0x2000  }
0xe9: {  	[sflag:s21] =	ssyncset.done $0x0  }
0xea: {  	s4 =	sadd.s32 $0x1480, s0;
	[sflag:s21] =	ssyncadd.s32 $0xFFFFE000  }
0xeb: {  	[spmem:s3] =	stream.indirect.scatter.add.f32 [tilespmem:s17], [sflag:$0x6], $0x40, s4, s15, $0xb8;
	[tilespmem:$0x1E800] =	vst v63  }
0xec: {  	_ =	swait.ge [sflag:s22], $0x2000  }
0xed: {  	[sflag:s22] =	ssyncset.done $0x0  }
0xee: {  	s4 =	sadd.s32 $0x1500, s0;
	[sflag:s22] =	ssyncadd.s32 $0xFFFFE000  }
0xef: {  	[spmem:s3] =	stream.indirect.scatter.add.f32 [tilespmem:s18], [sflag:$0x7], $0x40, s4, s15, $0xb8;
	[tilespmem:$0x1E800] =	vst v63  }
0xf0: {  	_ =	swait.ge [sflag:s23], $0x2000  }
0xf1: {  	[sflag:s23] =	ssyncset.done $0x0  }
0xf2: {  	s0 =	sadd.s32 $0x1580, s0;
	[sflag:s23] =	ssyncadd.s32 $0xFFFFE000  }
0xf3: {  	[spmem:s3] =	stream.indirect.scatter.add.f32 [tilespmem:s19], [sflag:$0x8], $0x40, s0, s15, $0xb8;
	[tilespmem:$0x1E800] =	vst v63  }
0xf4: {  	_ =	swait.ge [sflag:s25], $0x2000  }
0xf5: {  	[sflag:s25] =	ssyncset.done $0x0  }
0xf6: {  	[sflag:s25] =	ssyncadd.s32 $0xFFFFE000  }
0xf7: {  	_ =	swait.ge [sflag:s26], $0x2000  }
0xf8: {  	[sflag:s26] =	ssyncset.done $0x0  }
0xf9: {  	[sflag:s26] =	ssyncadd.s32 $0xFFFFE000  }
0xfa: {  	_ =	swait.ge [sflag:s28], $0x2000  }
0xfb: {  	[sflag:s28] =	ssyncset.done $0x0  }
0xfc: {  	[sflag:s28] =	ssyncadd.s32 $0xFFFFE000  }
0xfd: {  	_ =	swait.ge [sflag:s29], $0x2000  }
0xfe: {  	[sflag:s29] =	ssyncset.done $0x0  }
0xff: {  	s1 =	simm.s32 $0x0;
	s4 =	sadd.s32 $0x500, s8;
	[sflag:s29] =	ssyncadd.s32 $0xFFFFE000  }
0x100: {  	[tilespmem:s1], [sflag:$0x9] =	stream.linear.gather [hbm4b:s4+s1], $0x1400, $0x38;
	[tilespmem:$0x1E800] =	vst v63  }
0x101: {  	_ =	swait.ge [sflag:s12], $0x1400  }
0x102: {  	[sflag:s12] =	ssyncset.done $0x0  }
0x103: {  	s4 =	sadd.s32 $0x500, s9;
	[sflag:s12] =	ssyncadd.s32 $0xFFFFEC00  }
0x104: {  	[tilespmem:s14], [sflag:$0x9] =	stream.linear.gather [hbm4b:s4+s1], $0x1400, $0x38;
	[tilespmem:$0x1E800] =	vst v63  }
0x105: {  	_ =	swait.ge [sflag:s12], $0x1400  }
0x106: {  	[sflag:s12] =	ssyncset.done $0x0  }
0x107: {  	s1 =	simm.s32 $0x0;
	[sflag:s12] =	ssyncadd.s32 $0xFFFFEC00  }
0x108: {  	[tilespmem:s16], [sflag:$0x1] =	stream.indirect.gather [spmem:s2], $0x40, s1, s15, $0xb8;
	[tilespmem:$0x1E800] =	vst v63  }
0x109: {  	s4 =	simm.s32 $0x80  }
0x10a: {  	[tilespmem:s17], [sflag:$0x2] =	stream.indirect.gather [spmem:s2], $0x40, s4, s15, $0xb8;
	[tilespmem:$0x1E800] =	vst v63  }
0x10b: {  	s1 =	simm.s32 $0x100  }
0x10c: {  	[tilespmem:s18], [sflag:$0x3] =	stream.indirect.gather [spmem:s2], $0x40, s1, s15, $0xb8;
	[tilespmem:$0x1E800] =	vst v63  }
0x10d: {  	s4 =	simm.s32 $0x180  }
0x10e: {  	[tilespmem:s19], [sflag:$0x4] =	stream.indirect.gather [spmem:s2], $0x40, s4, s15, $0xb8;
	[tilespmem:$0x1E800] =	vst v63  }
0x10f: {  	_ =	swait.ge [sflag:s20], $0x2000  }
0x110: {  	[sflag:s20] =	ssyncset.done $0x0  }
0x111: {  	s1 =	simm.s32 $0x1400;
	[sflag:s20] =	ssyncadd.s32 $0xFFFFE000  }
0x112: {  	[spmem:s3] =	stream.indirect.scatter.add.f32 [tilespmem:s16], [sflag:$0x5], $0x40, s1, s15, $0xb8;
	[tilespmem:$0x1E800] =	vst v63  }
0x113: {  	_ =	swait.ge [sflag:s21], $0x2000  }
0x114: {  	[sflag:s21] =	ssyncset.done $0x0  }
0x115: {  	s4 =	simm.s32 $0x1480;
	[sflag:s21] =	ssyncadd.s32 $0xFFFFE000  }
0x116: {  	[spmem:s3] =	stream.indirect.scatter.add.f32 [tilespmem:s17], [sflag:$0x6], $0x40, s4, s15, $0xb8;
	[tilespmem:$0x1E800] =	vst v63  }
0x117: {  	_ =	swait.ge [sflag:s22], $0x2000  }
0x118: {  	[sflag:s22] =	ssyncset.done $0x0  }
0x119: {  	s1 =	simm.s32 $0x1500;
	[sflag:s22] =	ssyncadd.s32 $0xFFFFE000  }
0x11a: {  	[spmem:s3] =	stream.indirect.scatter.add.f32 [tilespmem:s18], [sflag:$0x7], $0x40, s1, s15, $0xb8;
	[tilespmem:$0x1E800] =	vst v63  }
0x11b: {  	_ =	swait.ge [sflag:s23], $0x2000  }
0x11c: {  	[sflag:s23] =	ssyncset.done $0x0  }
0x11d: {  	s4 =	simm.s32 $0x1580;
	[sflag:s23] =	ssyncadd.s32 $0xFFFFE000  }
0x11e: {  	[spmem:s3] =	stream.indirect.scatter.add.f32 [tilespmem:s19], [sflag:$0x8], $0x40, s4, s15, $0xb8;
	[tilespmem:$0x1E800] =	vst v63  }
0x11f: {  	_ =	swait.ge [sflag:s25], $0x2000  }
0x120: {  	[sflag:s25] =	ssyncset.done $0x0  }
0x121: {  	[sflag:s25] =	ssyncadd.s32 $0xFFFFE000  }
0x122: {  	_ =	swait.ge [sflag:s26], $0x2000  }
0x123: {  	[sflag:s26] =	ssyncset.done $0x0  }
0x124: {  	[sflag:s26] =	ssyncadd.s32 $0xFFFFE000  }
0x125: {  	_ =	swait.ge [sflag:s28], $0x2000  }
0x126: {  	[sflag:s28] =	ssyncset.done $0x0  }
0x127: {  	[sflag:s28] =	ssyncadd.s32 $0xFFFFE000  }
0x128: {  	_ =	swait.ge [sflag:s29], $0x2000  }
0x129: {  	s31 =	simm.s32 $0x800;
	s0 =	simm.s32 $0x1000;
	[sflag:s29] =	ssyncset.done $0x0  }
.LBB2_6:
0x12a: {  	s4 =	sshra.s32 s31, $0x2  }
0x12b: {  	[sflag:s29] =	ssyncadd.s32 $0xFFFFE000;
	s31 =	smov.u32 s0;
	s1 =	sadd.s32 $0x800, s0  }
0x12c: {  	[tilespmem:s16], [sflag:$0x1] =	stream.indirect.gather [spmem:s2], $0x40, s4, s15, $0xb8;
	[tilespmem:$0x1E800] =	vst v63  }
0x12d: {  	p0 =	sne.s32 s0, $0x4800;
	s0 =	sadd.s32 $0x80, s4  }
0x12e: {  	[tilespmem:s17], [sflag:$0x2] =	stream.indirect.gather [spmem:s2], $0x40, s0, s15, $0xb8;
	[tilespmem:$0x1E800] =	vst v63  }
0x12f: {  	s0 =	sadd.s32 $0x100, s4  }
0x130: {  	[tilespmem:s18], [sflag:$0x3] =	stream.indirect.gather [spmem:s2], $0x40, s0, s15, $0xb8;
	[tilespmem:$0x1E800] =	vst v63  }
0x131: {  	s0 =	sadd.s32 $0x180, s4  }
0x132: {  	[tilespmem:s19], [sflag:$0x4] =	stream.indirect.gather [spmem:s2], $0x40, s0, s15, $0xb8;
	[tilespmem:$0x1E800] =	vst v63  }
0x133: {  	_ =	swait.ge [sflag:s20], $0x2000  }
0x134: {  	[sflag:s20] =	ssyncset.done $0x0  }
0x135: {  	s0 =	sadd.s32 $0x1400, s4;
	[sflag:s20] =	ssyncadd.s32 $0xFFFFE000  }
0x136: {  	[spmem:s3] =	stream.indirect.scatter.add.f32 [tilespmem:s16], [sflag:$0x5], $0x40, s0, s15, $0xb8;
	[tilespmem:$0x1E800] =	vst v63  }
0x137: {  	_ =	swait.ge [sflag:s21], $0x2000  }
0x138: {  	[sflag:s21] =	ssyncset.done $0x0  }
0x139: {  	s0 =	sadd.s32 $0x1480, s4;
	[sflag:s21] =	ssyncadd.s32 $0xFFFFE000  }
0x13a: {  	[spmem:s3] =	stream.indirect.scatter.add.f32 [tilespmem:s17], [sflag:$0x6], $0x40, s0, s15, $0xb8;
	[tilespmem:$0x1E800] =	vst v63  }
0x13b: {  	_ =	swait.ge [sflag:s22], $0x2000  }
0x13c: {  	[sflag:s22] =	ssyncset.done $0x0  }
0x13d: {  	s0 =	sadd.s32 $0x1500, s4;
	[sflag:s22] =	ssyncadd.s32 $0xFFFFE000  }
0x13e: {  	[spmem:s3] =	stream.indirect.scatter.add.f32 [tilespmem:s18], [sflag:$0x7], $0x40, s0, s15, $0xb8;
	[tilespmem:$0x1E800] =	vst v63  }
0x13f: {  	_ =	swait.ge [sflag:s23], $0x2000  }
0x140: {  	[sflag:s23] =	ssyncset.done $0x0  }
0x141: {  	s0 =	sadd.s32 $0x1580, s4;
	[sflag:s23] =	ssyncadd.s32 $0xFFFFE000  }
0x142: {  	[spmem:s3] =	stream.indirect.scatter.add.f32 [tilespmem:s19], [sflag:$0x8], $0x40, s0, s15, $0xb8;
	[tilespmem:$0x1E800] =	vst v63  }
0x143: {  	_ =	swait.ge [sflag:s25], $0x2000  }
0x144: {  	[sflag:s25] =	ssyncset.done $0x0  }
0x145: {  	[sflag:s25] =	ssyncadd.s32 $0xFFFFE000  }
0x146: {  	_ =	swait.ge [sflag:s26], $0x2000  }
0x147: {  	[sflag:s26] =	ssyncset.done $0x0  }
0x148: {  	[sflag:s26] =	ssyncadd.s32 $0xFFFFE000  }
.Ltmp2:
0x149: {  	_ =	swait.ge [sflag:s28], $0x2000;
	(pc) =	sbr.rel @p0 .LBB2_6-.Ltmp2, $4  }
0x14a: {  	[sflag:s28] =	ssyncset.done $0x0  }
0x14b: {  	[sflag:s28] =	ssyncadd.s32 $0xFFFFE000  }
0x14c: {  	_ =	swait.ge [sflag:s29], $0x2000  }
0x14d: {  	s0 =	smov.u32 s1;
	[sflag:s29] =	ssyncset.done $0x0  }
0x14e: {  	s0 =	sshra.s32 s31, $0x2;
	[sflag:s29] =	ssyncadd.s32 $0xFFFFE000  }
0x14f: {  	[tilespmem:s16], [sflag:$0x1] =	stream.indirect.gather [spmem:s2], $0x40, s0, s15, $0xb8;
	[tilespmem:$0x1E800] =	vst v63  }
0x150: {  	s1 =	sadd.s32 $0x80, s0  }
0x151: {  	[tilespmem:s17], [sflag:$0x2] =	stream.indirect.gather [spmem:s2], $0x40, s1, s15, $0xb8;
	[tilespmem:$0x1E800] =	vst v63  }
0x152: {  	s4 =	sadd.s32 $0x100, s0  }
0x153: {  	[tilespmem:s18], [sflag:$0x3] =	stream.indirect.gather [spmem:s2], $0x40, s4, s15, $0xb8;
	[tilespmem:$0x1E800] =	vst v63  }
0x154: {  	s4 =	sadd.s32 $0x180, s0  }
0x155: {  	[tilespmem:s19], [sflag:$0x4] =	stream.indirect.gather [spmem:s2], $0x40, s4, s15, $0xb8;
	[tilespmem:$0x1E800] =	vst v63  }
0x156: {  	_ =	swait.ge [sflag:s20], $0x2000  }
0x157: {  	[sflag:s20] =	ssyncset.done $0x0  }
0x158: {  	s4 =	sadd.s32 $0x1400, s0;
	[sflag:s20] =	ssyncadd.s32 $0xFFFFE000  }
0x159: {  	[spmem:s3] =	stream.indirect.scatter.add.f32 [tilespmem:s16], [sflag:$0x5], $0x40, s4, s15, $0xb8;
	[tilespmem:$0x1E800] =	vst v63  }
0x15a: {  	_ =	swait.ge [sflag:s21], $0x2000  }
0x15b: {  	[sflag:s21] =	ssyncset.done $0x0  }
0x15c: {  	s4 =	sadd.s32 $0x1480, s0;
	[sflag:s21] =	ssyncadd.s32 $0xFFFFE000  }
0x15d: {  	[spmem:s3] =	stream.indirect.scatter.add.f32 [tilespmem:s17], [sflag:$0x6], $0x40, s4, s15, $0xb8;
	[tilespmem:$0x1E800] =	vst v63  }
0x15e: {  	_ =	swait.ge [sflag:s22], $0x2000  }
0x15f: {  	[sflag:s22] =	ssyncset.done $0x0  }
0x160: {  	s4 =	sadd.s32 $0x1500, s0;
	[sflag:s22] =	ssyncadd.s32 $0xFFFFE000  }
0x161: {  	[spmem:s3] =	stream.indirect.scatter.add.f32 [tilespmem:s18], [sflag:$0x7], $0x40, s4, s15, $0xb8;
	[tilespmem:$0x1E800] =	vst v63  }
0x162: {  	_ =	swait.ge [sflag:s23], $0x2000  }
0x163: {  	[sflag:s23] =	ssyncset.done $0x0  }
0x164: {  	s0 =	sadd.s32 $0x1580, s0;
	[sflag:s23] =	ssyncadd.s32 $0xFFFFE000  }
0x165: {  	[spmem:s3] =	stream.indirect.scatter.add.f32 [tilespmem:s19], [sflag:$0x8], $0x40, s0, s15, $0xb8;
	[tilespmem:$0x1E800] =	vst v63  }
0x166: {  	_ =	swait.ge [sflag:s25], $0x2000  }
0x167: {  	[sflag:s25] =	ssyncset.done $0x0  }
0x168: {  	[sflag:s25] =	ssyncadd.s32 $0xFFFFE000  }
0x169: {  	_ =	swait.ge [sflag:s26], $0x2000  }
0x16a: {  	[sflag:s26] =	ssyncset.done $0x0  }
0x16b: {  	[sflag:s26] =	ssyncadd.s32 $0xFFFFE000  }
0x16c: {  	_ =	swait.ge [sflag:s28], $0x2000  }
0x16d: {  	[sflag:s28] =	ssyncset.done $0x0  }
0x16e: {  	[sflag:s28] =	ssyncadd.s32 $0xFFFFE000  }
0x16f: {  	_ =	swait.ge [sflag:s29], $0x2000  }
0x170: {  	[sflag:s29] =	ssyncset.done $0x0  }
0x171: {  	s1 =	simm.s32 $0x0;
	s4 =	sadd.s32 $0x780, s8;
	[sflag:s29] =	ssyncadd.s32 $0xFFFFE000  }
0x172: {  	[tilespmem:s1], [sflag:$0x9] =	stream.linear.gather [hbm4b:s4+s1], $0x1400, $0x38;
	[tilespmem:$0x1E800] =	vst v63  }
0x173: {  	_ =	swait.ge [sflag:s12], $0x1400  }
0x174: {  	[sflag:s12] =	ssyncset.done $0x0  }
0x175: {  	s4 =	sadd.s32 $0x780, s9;
	[sflag:s12] =	ssyncadd.s32 $0xFFFFEC00  }
0x176: {  	[tilespmem:s14], [sflag:$0x9] =	stream.linear.gather [hbm4b:s4+s1], $0x1400, $0x38;
	[tilespmem:$0x1E800] =	vst v63  }
0x177: {  	_ =	swait.ge [sflag:s12], $0x1400  }
0x178: {  	[sflag:s12] =	ssyncset.done $0x0  }
0x179: {  	s1 =	simm.s32 $0x0;
	[sflag:s12] =	ssyncadd.s32 $0xFFFFEC00  }
0x17a: {  	[tilespmem:s16], [sflag:$0x1] =	stream.indirect.gather [spmem:s2], $0x40, s1, s15, $0xb8;
	[tilespmem:$0x1E800] =	vst v63  }
0x17b: {  	s4 =	simm.s32 $0x80  }
0x17c: {  	[tilespmem:s17], [sflag:$0x2] =	stream.indirect.gather [spmem:s2], $0x40, s4, s15, $0xb8;
	[tilespmem:$0x1E800] =	vst v63  }
0x17d: {  	s1 =	simm.s32 $0x100  }
0x17e: {  	[tilespmem:s18], [sflag:$0x3] =	stream.indirect.gather [spmem:s2], $0x40, s1, s15, $0xb8;
	[tilespmem:$0x1E800] =	vst v63  }
0x17f: {  	s4 =	simm.s32 $0x180  }
0x180: {  	[tilespmem:s19], [sflag:$0x4] =	stream.indirect.gather [spmem:s2], $0x40, s4, s15, $0xb8;
	[tilespmem:$0x1E800] =	vst v63  }
0x181: {  	_ =	swait.ge [sflag:s20], $0x2000  }
0x182: {  	[sflag:s20] =	ssyncset.done $0x0  }
0x183: {  	s1 =	simm.s32 $0x1400;
	[sflag:s20] =	ssyncadd.s32 $0xFFFFE000  }
0x184: {  	[spmem:s3] =	stream.indirect.scatter.add.f32 [tilespmem:s16], [sflag:$0x5], $0x40, s1, s15, $0xb8;
	[tilespmem:$0x1E800] =	vst v63  }
0x185: {  	_ =	swait.ge [sflag:s21], $0x2000  }
0x186: {  	[sflag:s21] =	ssyncset.done $0x0  }
0x187: {  	s4 =	simm.s32 $0x1480;
	[sflag:s21] =	ssyncadd.s32 $0xFFFFE000  }
0x188: {  	[spmem:s3] =	stream.indirect.scatter.add.f32 [tilespmem:s17], [sflag:$0x6], $0x40, s4, s15, $0xb8;
	[tilespmem:$0x1E800] =	vst v63  }
0x189: {  	_ =	swait.ge [sflag:s22], $0x2000  }
0x18a: {  	[sflag:s22] =	ssyncset.done $0x0  }
0x18b: {  	s1 =	simm.s32 $0x1500;
	[sflag:s22] =	ssyncadd.s32 $0xFFFFE000  }
0x18c: {  	[spmem:s3] =	stream.indirect.scatter.add.f32 [tilespmem:s18], [sflag:$0x7], $0x40, s1, s15, $0xb8;
	[tilespmem:$0x1E800] =	vst v63  }
0x18d: {  	_ =	swait.ge [sflag:s23], $0x2000  }
0x18e: {  	[sflag:s23] =	ssyncset.done $0x0  }
0x18f: {  	s4 =	simm.s32 $0x1580;
	[sflag:s23] =	ssyncadd.s32 $0xFFFFE000  }
0x190: {  	[spmem:s3] =	stream.indirect.scatter.add.f32 [tilespmem:s19], [sflag:$0x8], $0x40, s4, s15, $0xb8;
	[tilespmem:$0x1E800] =	vst v63  }
0x191: {  	_ =	swait.ge [sflag:s25], $0x2000  }
0x192: {  	[sflag:s25] =	ssyncset.done $0x0  }
0x193: {  	[sflag:s25] =	ssyncadd.s32 $0xFFFFE000  }
0x194: {  	_ =	swait.ge [sflag:s26], $0x2000  }
0x195: {  	[sflag:s26] =	ssyncset.done $0x0  }
0x196: {  	[sflag:s26] =	ssyncadd.s32 $0xFFFFE000  }
0x197: {  	_ =	swait.ge [sflag:s28], $0x2000  }
0x198: {  	[sflag:s28] =	ssyncset.done $0x0  }
0x199: {  	[sflag:s28] =	ssyncadd.s32 $0xFFFFE000  }
0x19a: {  	_ =	swait.ge [sflag:s29], $0x2000  }
0x19b: {  	s31 =	simm.s32 $0x800;
	s0 =	simm.s32 $0x1000;
	[sflag:s29] =	ssyncset.done $0x0  }
.LBB2_8:
0x19c: {  	s4 =	sshra.s32 s31, $0x2  }
0x19d: {  	[sflag:s29] =	ssyncadd.s32 $0xFFFFE000;
	s31 =	smov.u32 s0;
	s1 =	sadd.s32 $0x800, s0  }
0x19e: {  	[tilespmem:s16], [sflag:$0x1] =	stream.indirect.gather [spmem:s2], $0x40, s4, s15, $0xb8;
	[tilespmem:$0x1E800] =	vst v63  }
0x19f: {  	p0 =	sne.s32 s0, $0x4800;
	s0 =	sadd.s32 $0x80, s4  }
0x1a0: {  	[tilespmem:s17], [sflag:$0x2] =	stream.indirect.gather [spmem:s2], $0x40, s0, s15, $0xb8;
	[tilespmem:$0x1E800] =	vst v63  }
0x1a1: {  	s0 =	sadd.s32 $0x100, s4  }
0x1a2: {  	[tilespmem:s18], [sflag:$0x3] =	stream.indirect.gather [spmem:s2], $0x40, s0, s15, $0xb8;
	[tilespmem:$0x1E800] =	vst v63  }
0x1a3: {  	s0 =	sadd.s32 $0x180, s4  }
0x1a4: {  	[tilespmem:s19], [sflag:$0x4] =	stream.indirect.gather [spmem:s2], $0x40, s0, s15, $0xb8;
	[tilespmem:$0x1E800] =	vst v63  }
0x1a5: {  	_ =	swait.ge [sflag:s20], $0x2000  }
0x1a6: {  	[sflag:s20] =	ssyncset.done $0x0  }
0x1a7: {  	s0 =	sadd.s32 $0x1400, s4;
	[sflag:s20] =	ssyncadd.s32 $0xFFFFE000  }
0x1a8: {  	[spmem:s3] =	stream.indirect.scatter.add.f32 [tilespmem:s16], [sflag:$0x5], $0x40, s0, s15, $0xb8;
	[tilespmem:$0x1E800] =	vst v63  }
0x1a9: {  	_ =	swait.ge [sflag:s21], $0x2000  }
0x1aa: {  	[sflag:s21] =	ssyncset.done $0x0  }
0x1ab: {  	s0 =	sadd.s32 $0x1480, s4;
	[sflag:s21] =	ssyncadd.s32 $0xFFFFE000  }
0x1ac: {  	[spmem:s3] =	stream.indirect.scatter.add.f32 [tilespmem:s17], [sflag:$0x6], $0x40, s0, s15, $0xb8;
	[tilespmem:$0x1E800] =	vst v63  }
0x1ad: {  	_ =	swait.ge [sflag:s22], $0x2000  }
0x1ae: {  	[sflag:s22] =	ssyncset.done $0x0  }
0x1af: {  	s0 =	sadd.s32 $0x1500, s4;
	[sflag:s22] =	ssyncadd.s32 $0xFFFFE000  }
0x1b0: {  	[spmem:s3] =	stream.indirect.scatter.add.f32 [tilespmem:s18], [sflag:$0x7], $0x40, s0, s15, $0xb8;
	[tilespmem:$0x1E800] =	vst v63  }
0x1b1: {  	_ =	swait.ge [sflag:s23], $0x2000  }
0x1b2: {  	[sflag:s23] =	ssyncset.done $0x0  }
0x1b3: {  	s0 =	sadd.s32 $0x1580, s4;
	[sflag:s23] =	ssyncadd.s32 $0xFFFFE000  }
0x1b4: {  	[spmem:s3] =	stream.indirect.scatter.add.f32 [tilespmem:s19], [sflag:$0x8], $0x40, s0, s15, $0xb8;
	[tilespmem:$0x1E800] =	vst v63  }
0x1b5: {  	_ =	swait.ge [sflag:s25], $0x2000  }
0x1b6: {  	[sflag:s25] =	ssyncset.done $0x0  }
0x1b7: {  	[sflag:s25] =	ssyncadd.s32 $0xFFFFE000  }
0x1b8: {  	_ =	swait.ge [sflag:s26], $0x2000  }
0x1b9: {  	[sflag:s26] =	ssyncset.done $0x0  }
0x1ba: {  	[sflag:s26] =	ssyncadd.s32 $0xFFFFE000  }
.Ltmp3:
0x1bb: {  	_ =	swait.ge [sflag:s28], $0x2000;
	(pc) =	sbr.rel @p0 .LBB2_8-.Ltmp3, $4  }
0x1bc: {  	[sflag:s28] =	ssyncset.done $0x0  }
0x1bd: {  	[sflag:s28] =	ssyncadd.s32 $0xFFFFE000  }
0x1be: {  	_ =	swait.ge [sflag:s29], $0x2000  }
0x1bf: {  	s0 =	smov.u32 s1;
	[sflag:s29] =	ssyncset.done $0x0  }
0x1c0: {  	s0 =	sshra.s32 s31, $0x2;
	[sflag:s29] =	ssyncadd.s32 $0xFFFFE000  }
0x1c1: {  	[tilespmem:s16], [sflag:$0x1] =	stream.indirect.gather [spmem:s2], $0x40, s0, s15, $0xb8;
	[tilespmem:$0x1E800] =	vst v63  }
0x1c2: {  	s1 =	sadd.s32 $0x80, s0  }
0x1c3: {  	[tilespmem:s17], [sflag:$0x2] =	stream.indirect.gather [spmem:s2], $0x40, s1, s15, $0xb8;
	[tilespmem:$0x1E800] =	vst v63  }
0x1c4: {  	s31 =	sadd.s32 $0x100, s0  }
0x1c5: {  	[tilespmem:s18], [sflag:$0x3] =	stream.indirect.gather [spmem:s2], $0x40, s31, s15, $0xb8;
	[tilespmem:$0x1E800] =	vst v63  }
0x1c6: {  	s4 =	sadd.s32 $0x180, s0  }
0x1c7: {  	[tilespmem:s19], [sflag:$0x4] =	stream.indirect.gather [spmem:s2], $0x40, s4, s15, $0xb8;
	[tilespmem:$0x1E800] =	vst v63  }
0x1c8: {  	_ =	swait.ge [sflag:s20], $0x2000  }
0x1c9: {  	[sflag:s20] =	ssyncset.done $0x0  }
0x1ca: {  	s31 =	sadd.s32 $0x1400, s0;
	[sflag:s20] =	ssyncadd.s32 $0xFFFFE000  }
0x1cb: {  	[spmem:s3] =	stream.indirect.scatter.add.f32 [tilespmem:s16], [sflag:$0x5], $0x40, s31, s15, $0xb8;
	[tilespmem:$0x1E800] =	vst v63  }
0x1cc: {  	_ =	swait.ge [sflag:s21], $0x2000  }
0x1cd: {  	[sflag:s21] =	ssyncset.done $0x0  }
0x1ce: {  	s4 =	sadd.s32 $0x1480, s0;
	[sflag:s21] =	ssyncadd.s32 $0xFFFFE000  }
0x1cf: {  	[spmem:s3] =	stream.indirect.scatter.add.f32 [tilespmem:s17], [sflag:$0x6], $0x40, s4, s15, $0xb8;
	[tilespmem:$0x1E800] =	vst v63  }
0x1d0: {  	_ =	swait.ge [sflag:s22], $0x2000  }
0x1d1: {  	[sflag:s22] =	ssyncset.done $0x0  }
0x1d2: {  	s31 =	sadd.s32 $0x1500, s0;
	[sflag:s22] =	ssyncadd.s32 $0xFFFFE000  }
0x1d3: {  	[spmem:s3] =	stream.indirect.scatter.add.f32 [tilespmem:s18], [sflag:$0x7], $0x40, s31, s15, $0xb8;
	[tilespmem:$0x1E800] =	vst v63  }
0x1d4: {  	_ =	swait.ge [sflag:s23], $0x2000  }
0x1d5: {  	[sflag:s23] =	ssyncset.done $0x0  }
0x1d6: {  	s0 =	sadd.s32 $0x1580, s0;
	[sflag:s23] =	ssyncadd.s32 $0xFFFFE000  }
0x1d7: {  	[spmem:s3] =	stream.indirect.scatter.add.f32 [tilespmem:s19], [sflag:$0x8], $0x40, s0, s15, $0xb8;
	[tilespmem:$0x1E800] =	vst v63  }
0x1d8: {  	_ =	swait.ge [sflag:s25], $0x2000  }
0x1d9: {  	[sflag:s25] =	ssyncset.done $0x0  }
0x1da: {  	[sflag:s25] =	ssyncadd.s32 $0xFFFFE000  }
0x1db: {  	_ =	swait.ge [sflag:s26], $0x2000  }
0x1dc: {  	[sflag:s26] =	ssyncset.done $0x0  }
0x1dd: {  	[sflag:s26] =	ssyncadd.s32 $0xFFFFE000  }
0x1de: {  	_ =	swait.ge [sflag:s28], $0x2000  }
0x1df: {  	[sflag:s28] =	ssyncset.done $0x0  }
0x1e0: {  	[sflag:s28] =	ssyncadd.s32 $0xFFFFE000  }
0x1e1: {  	_ =	swait.ge [sflag:s29], $0x2000  }
0x1e2: {  	s30 =	sadd.s32 $0x1, s30;
	[sflag:s29] =	ssyncset.done $0x0  }
0x1e3: {  	p0 =	sne.s32 s30, s10;
	[sflag:s29] =	ssyncadd.s32 $0xFFFFE000  }
.Ltmp4:
0x1e4: {  	[bflag:$0x0] =	sbarrier.arrive $0xFFFF;
	(pc) =	sbr.rel @p0 .LBB2_1-.Ltmp4, $4  }
0x1e5: {  	[hbm:s24], [sflag:s6] =	dma.local [spmem:s13], $0x1400  }
0x1e6: {  	_ =	swait.ge [sflag:s12], $0x1400  }
0x1e7: {  	[sflag:s12] =	ssyncset.done $0x0  }
0x1e8: {  	[sflag:s12] =	ssyncadd.s32 $0xFFFFEC00  }
0x1e9: {  	_ =	sfence.sel $0x180000  }
0x1ea: {  	[bflag:$0x0] =	sbarrier.arrive $0xFFFF  }
0x1eb: {  	_ =	strace $0x9000004A  }
0x1ec: {  	s0 =	stileid.u32;
	[bflag:$0x2] =	sbarrier.arrive $0xFFFF  }
0x1ed: {  	p0 =	sne.s32 s0, $0x0;
	s0 =	rddreg [dreg:$0x4]  }
0x1ee: {  	s0 =	sadd.s32 @!p0 $0x100000, s0  }
0x1ef: {  	[sflag:s0] =	ssyncadd.tile.s32 @!p0 $0x1;
	_ =	shalt  }
.Lfunc_end2:
_tile_overlayer_lowered:
.L_overlay_start_2:
0x1f0: {  	(tag) =	ssettag $0x2  }
0x1f1: {  	s0 =	rddreg [dreg:$0x0];
	s2 =	stileid.u32  }
0x1f2: {  	s1 =	rddreg [dreg:$0x1];
	p0 =	sne.s32 s2, $0x0  }
0x1f3: {  	s3 =	rddreg [dreg:$0x2];
	[bflag:$0x3] =	sbarrier.arrive $0xFFFF;
	s2 =	simm.s32 @!p0 $0x1C09  }
0x1f4: {  	[timem:s3], [sflag:s2] =	dma.local @!p0 [hbm:s0], s1  }
0x1f5: {  	s0 =	simm.s32 @!p0 $0x9  }
0x1f6: {  	_ =	swait.ge @!p0 [sflag:s0], s1  }
0x1f7: {  	s1 =	ssub.s32 @!p0 $0x0, s1;
	[sflag:s0] =	ssyncset.done @!p0 $0x0  }
0x1f8: {  	[sflag:s0] =	ssyncadd.s32 @!p0 s1  }
0x1f9: {  	[bflag:$0x3] =	sbarrier.arrive $0xFFFF  }
0x1fa: {  	_ =	shalt  }

</sc_bundles>
